<compile_context>
chip_gen: v7x
topology: tpu7x:2x2x1
jax: 0.10.2.dev20260603
libtpu: 0.0.44.dev20260713+nightly
codegen_flags: <defaults>
</compile_context>

<pallas_src>
import functools

import jax
import jax.numpy as jnp
from jax import lax
from jax.experimental import pallas as pl
from jax.experimental.pallas import tpu as pltpu
from jax.experimental.pallas import tpu_sc as plsc

E = 8
CAP = 320
T = 8192
D = 1024
DFF = 4096
BT = 512
NB = T // BT
NSLOT = E * CAP
NSLOT_PAD = 2880
EO_ROWS = NSLOT + CAP
FB = 2048
NJ = DFF // FB

NC, NS = 2, 16
NW = NC * NS


def _router_body(x_ref, wr_ref, br_ref, slot_ref, loss_ref, carry, psum,
                 triu_s):
    i = pl.program_id(0)

    @pl.when(i == 0)
    def _():
        carry[...] = jnp.zeros_like(carry)
        psum[...] = jnp.zeros_like(psum)
        sub = lax.broadcasted_iota(jnp.int32, (BT, BT), 0)
        lan = lax.broadcasted_iota(jnp.int32, (BT, BT), 1)
        triu_s[...] = (sub <= lan).astype(jnp.float32)

    x = x_ref[...]
    logits = lax.dot_general(wr_ref[...], x, (((0,), (1,)), ((), ())),
                             preferred_element_type=jnp.float32)
    logits = logits + br_ref[...]
    m = jnp.max(logits, axis=0, keepdims=True)
    ex = jnp.exp(logits - m)
    probs = ex / jnp.sum(ex, axis=0, keepdims=True)
    srow = lax.broadcasted_iota(jnp.int32, (E, BT), 0)
    eidx = jnp.min(jnp.where(logits == m, srow, E), axis=0, keepdims=True)
    onehot = (srow == eidx).astype(jnp.float32)

    cum = lax.dot_general(onehot, triu_s[...], (((1,), (0,)), ((), ())),
                          preferred_element_type=jnp.float32)
    pos = jnp.sum(onehot * (cum + carry[...]), axis=0, keepdims=True) - 1.0
    keep = pos < float(CAP)
    tok = (i * BT + lax.broadcasted_iota(jnp.int32, (1, BT), 1)) % CAP
    slot = jnp.where(keep, eidx.astype(jnp.float32) * float(CAP) + pos,
                     float(NSLOT) + tok.astype(jnp.float32))
    slot_ref[...] = slot.astype(jnp.int32).reshape(1, 1, BT)

    carry[...] = carry[...] + jnp.sum(onehot, axis=1, keepdims=True)
    psum[...] = psum[...] + jnp.sum(probs, axis=1, keepdims=True)
    loss_ref[...] = (float(E) / float(T * T)) * jnp.sum(
        carry[...] * psum[...], axis=0, keepdims=True)


def _router(x2d, wr, br_col):
    return pl.pallas_call(
        _router_body,
        grid=(NB,),
        in_specs=[
            pl.BlockSpec((BT, D), lambda i: (i, 0)),
            pl.BlockSpec((D, E), lambda i: (0, 0)),
            pl.BlockSpec((E, 1), lambda i: (0, 0)),
        ],
        out_specs=[
            pl.BlockSpec((1, 1, BT), lambda i: (i, 0, 0)),
            pl.BlockSpec((1, 1), lambda i: (0, 0)),
        ],
        out_shape=[
            jax.ShapeDtypeStruct((NB, 1, BT), jnp.int32),
            jax.ShapeDtypeStruct((1, 1), jnp.float32),
        ],
        scratch_shapes=[
            pltpu.VMEM((E, 1), jnp.float32),
            pltpu.VMEM((E, 1), jnp.float32),
            pltpu.VMEM((BT, BT), jnp.float32),
        ],
        compiler_params=pltpu.CompilerParams(
            dimension_semantics=("arbitrary",)),
    )(x2d, wr, br_col)


def _ffn_body(x_ref, w1_ref, b1_ref, w2_ref, b2_ref, o_ref):
    i = pl.program_id(0)
    j = pl.program_id(1)
    valid = i < E
    x = jnp.where(valid, x_ref[...], 0.0)
    xb = x.astype(jnp.bfloat16)
    w1 = w1_ref[0].astype(jnp.bfloat16)
    h = jnp.dot(xb, w1, preferred_element_type=jnp.float32) + b1_ref[0]
    hb = jnp.maximum(h, 0.0).astype(jnp.bfloat16)
    w2 = w2_ref[0].astype(jnp.bfloat16)
    acc = jnp.dot(hb, w2, preferred_element_type=jnp.float32)

    @pl.when(j == 0)
    def _():
        o_ref[...] = jnp.where(valid,
                               jnp.broadcast_to(b2_ref[0], (CAP, D)), 0.0)

    o_ref[...] += jnp.where(valid, acc, 0.0)


def _ffn(disp, w1, b1, w2, b2):
    ei = lambda i: jnp.minimum(i, E - 1)
    ej = lambda i, j: jnp.where(i == E, NJ - 1, j)
    return pl.pallas_call(
        _ffn_body,
        grid=(EO_ROWS // CAP, NJ),
        in_specs=[
            pl.BlockSpec((CAP, D), lambda i, j: (ei(i), 0)),
            pl.BlockSpec((1, D, FB), lambda i, j: (ei(i), 0, ej(i, j))),
            pl.BlockSpec((1, 1, FB), lambda i, j: (ei(i), 0, ej(i, j))),
            pl.BlockSpec((1, FB, D), lambda i, j: (ei(i), ej(i, j), 0)),
            pl.BlockSpec((1, 1, D), lambda i, j: (ei(i), 0, 0)),
        ],
        out_specs=pl.BlockSpec((CAP, D), lambda i, j: (i, 0)),
        out_shape=jax.ShapeDtypeStruct((EO_ROWS, D), jnp.float32),
        compiler_params=pltpu.CompilerParams(
            dimension_semantics=("arbitrary", "arbitrary"),
            vmem_limit_bytes=100 * 1024 * 1024),
    )(disp, w1, b1.reshape(E, 1, DFF), w2, b2.reshape(E, 1, D))


@functools.cache
def _mesh():
    return plsc.VectorSubcoreMesh(core_axis_name="c", subcore_axis_name="s")


def _wid():
    return lax.axis_index("s") * NC + lax.axis_index("c")


RPW = NSLOT // NW


def _dispatch_body(x_hbm, slots_hbm, disp_hbm, slots_v, map_v, shared_map,
                   idx_v, rows_v, sem):
    c = lax.axis_index("c")
    s = lax.axis_index("s")

    @pl.when(s == 0)
    def _():
        pltpu.sync_copy(slots_hbm, slots_v)

        @pl.loop(0, NSLOT_PAD // 16)
        def _(k):
            map_v[pl.ds(k * 16, 16)] = jnp.zeros((16,), jnp.int32)

        @pl.loop(0, T // 16)
        def _(k):
            idx = slots_v[pl.ds(k * 16, 16)]
            vals = lax.iota(jnp.int32, 16) + k * 16
            plsc.store_scatter(map_v, [idx], vals)

        pltpu.sync_copy(map_v, shared_map)

    plsc.subcore_barrier()
    base = c * (NSLOT // NC) + s * RPW
    pltpu.sync_copy(shared_map.at[pl.ds(base, RPW)], idx_v)
    pltpu.async_copy(x_hbm.at[idx_v], rows_v, sem).wait()
    pltpu.sync_copy(rows_v, disp_hbm.at[pl.ds(base, RPW)])


def _dispatch(x2d, slots):
    return pl.kernel(
        _dispatch_body, mesh=_mesh(),
        out_type=jax.ShapeDtypeStruct((NSLOT, D), jnp.float32),
        scratch_types=[pltpu.VMEM((T,), jnp.int32),
                       pltpu.VMEM((NSLOT_PAD,), jnp.int32),
                       pltpu.VMEM_SHARED((NSLOT_PAD,), jnp.int32),
                       pltpu.VMEM((RPW,), jnp.int32),
                       pltpu.VMEM((RPW, D), jnp.float32),
                       pltpu.SemaphoreType.DMA],
        compiler_params=pltpu.CompilerParams(
            needs_layout_passes=False))(x2d, slots)


CPW = T // NW
CH = 64


def _combine_body(eo_hbm, slots_hbm, out_hbm, idx_v, rows_v, sem):
    base = _wid() * CPW
    pltpu.sync_copy(slots_hbm.at[pl.ds(base, CPW)], idx_v)

    @pl.loop(0, CPW // CH)
    def _(k):
        pltpu.async_copy(eo_hbm.at[idx_v.at[pl.ds(k * CH, CH)]],
                         rows_v, sem).wait()
        pltpu.sync_copy(rows_v, out_hbm.at[pl.ds(base + k * CH, CH)])


def _combine(eo, slots):
    return pl.kernel(
        _combine_body, mesh=_mesh(),
        out_type=jax.ShapeDtypeStruct((T, D), jnp.float32),
        scratch_types=[pltpu.VMEM((CPW,), jnp.int32),
                       pltpu.VMEM((CH, D), jnp.float32),
                       pltpu.SemaphoreType.DMA])(eo, slots)


def kernel(x, Wr, br, W1, b1, W2, b2):
    x2d = x.reshape(T, D)
    slots3, loss = _router(x2d, Wr, br.reshape(E, 1))
    slots = slots3.reshape(T)
    disp = _dispatch(x2d, slots)
    eo = _ffn(disp, W1, b1, W2, b2)
    out2d = _combine(eo, slots)
    return out2d.reshape(x.shape), loss[0, 0]

# --- scband reference (transcript-rebuilt; emitter-appended) ---
"""Pipeline reference for scband-mo-elayer-47802986004484 (READ-ONLY COPY).

The authoritative reference and input builder live on the scoring server;
editing this copy changes nothing except your own understanding.
"""

import jax, jax.numpy as jnp
import numpy as np

B, S, D_MODEL, D_FF, E = 4, 2048, 1024, 4096, 8
CAPACITY_FACTOR = 1.25


def setup_inputs(seed: int = 0) -> dict:
    key = jax.random.key(seed)
    ks = jax.random.split(key, 5)
    x = jax.random.normal(ks[0], (B, S, D_MODEL), dtype=jnp.float32)
    Wr = jax.random.normal(ks[1], (D_MODEL, E), dtype=jnp.float32) * (1.0 / np.sqrt(D_MODEL))
    br = jnp.zeros((E,), dtype=jnp.float32)
    W1 = jax.random.normal(ks[2], (E, D_MODEL, D_FF), dtype=jnp.float32) * (1.0 / np.sqrt(D_MODEL))
    b1 = jnp.zeros((E, D_FF), dtype=jnp.float32)
    W2 = jax.random.normal(ks[3], (E, D_FF, D_MODEL), dtype=jnp.float32) * (1.0 / np.sqrt(D_FF))
    b2 = jnp.zeros((E, D_MODEL), dtype=jnp.float32)
    return {"x": x, "Wr": Wr, "br": br, "W1": W1, "b1": b1, "W2": W2, "b2": b2}


def reference(x, Wr, br, W1, b1, W2, b2):
    # MoELayer.forward: top-1 switch router -> capacity-limited dispatch -> expert FFN -> scatter-add combine
    batch, seq_len, d_model = x.shape
    num_experts = Wr.shape[1]
    capacity = int(seq_len / num_experts * CAPACITY_FACTOR)
    x_flat = x.reshape(-1, d_model)                      # [T, D]
    T = x_flat.shape[0]

    # Router: top-1 one-hot expert mask + load balancing loss
    logits = x_flat @ Wr + br                            # [T, E]
    probs = jax.nn.softmax(logits, axis=-1)              # [T, E]
    expert_idx = jnp.argmax(probs, axis=-1)              # [T]
    onehot_i = (expert_idx[:, None] == jnp.arange(num_experts)[None, :]).astype(jnp.int32)  # [T, E]
    f = onehot_i.astype(probs.dtype).mean(axis=0)        # fraction routed per expert
    P = probs.mean(axis=0)                               # mean router prob per expert
    load_balancing_loss = num_experts * jnp.sum(f * P)

    # Position of each token within its expert's queue (torch.where returns indices in order,
    # truncated to capacity -> first `capacity` tokens per expert are kept)
    pos = jnp.take_along_axis(jnp.cumsum(onehot_i, axis=0), expert_idx[:, None], axis=1)[:, 0] - 1  # [T]
    keep = pos < capacity
    safe_pos = jnp.where(keep, pos, 0)

    # Dispatch kept tokens into per-expert buffers [E, capacity, D]
    dispatch = jnp.zeros((num_experts, capacity, d_model), dtype=x.dtype)
    dispatch = dispatch.at[expert_idx, safe_pos].add(jnp.where(keep[:, None], x_flat, 0.0))

    # Expert FFN: Linear -> ReLU -> Linear, batched over experts
    h = jax.nn.relu(jnp.einsum('ecd,edf->ecf', dispatch, W1) + b1[:, None, :])   # [E, C, D_FF]
    expert_out = jnp.einsum('ecf,efd->ecd', h, W2) + b2[:, None, :]               # [E, C, D]

    # Combine: gather each kept token's expert output; dropped tokens stay zero (index_add_ on zeros)
    out_flat = jnp.where(keep[:, None], expert_out[expert_idx, safe_pos], 0.0)    # [T, D]
    final_output = out_flat.reshape(batch, seq_len, d_model)
    return final_output, load_balancing_loss

if __name__ == "__main__":
    import jax
    _d = setup_inputs()
    print(jax.jit(kernel)(*tuple(_d.values())))

</pallas_src>

<mosaic_0001>
#map = affine_map<(d0, d1) -> (0, 0)>
#map1 = affine_map<(d0, d1) -> (0)>
module attributes {stable_mosaic.version = 14 : i64} {
  func.func @_combine_body(%arg0: i32, %arg1: i32, %arg2: memref<2880x1024xf32, #tpu.memory_space<hbm>>, %arg3: memref<8192xi32, #tpu.memory_space<hbm>>, %arg4: memref<8192x1024xf32, #tpu.memory_space<hbm>>, %arg5: memref<256xi32, #tpu.memory_space<vmem>>, %arg6: memref<64x1024xf32, #tpu.memory_space<vmem>>, %arg7: memref<!tpu.dma_semaphore, #tpu.memory_space<semaphore_mem>>) attributes {dimension_semantics = [#tpu.dimension_semantics<core_parallel>, #tpu.dimension_semantics<subcore_parallel>], iteration_bounds = array<i64: 2, 16>, scalar_prefetch = 0 : i64, scratch_operands = 3 : i64, tpu.core_type = #tpu.core_type<sc_vector_subcore>, window_params = [{transform_indices = #map}, {transform_indices = #map1}, {transform_indices = #map}]} {
    %mul3A = arith.constant 2 : i32
    %mul3A_0 = arith.muli %arg1, %mul3A : i32
    %add3A = arith.addi %mul3A_0, %arg0 : i32
    %mul3A_1 = arith.constant 256 : i32
    %mul3A_2 = arith.muli %add3A, %mul3A_1 : i32
    "tpu.region"() ({
      %run_scoped3A = tpu.sem_alloc : memref<!tpu.dma_semaphore, #tpu.memory_space<semaphore_mem>>
      %dma_start3A = tpu.memref_slice %arg3[%mul3A_2] : memref<8192xi32, #tpu.memory_space<hbm>> -> memref<256xi32, #tpu.memory_space<hbm>>
      %dma_start3A_7 = tpu.memref_slice %arg3[%mul3A_2] : memref<8192xi32, #tpu.memory_space<hbm>> -> memref<256xi32, #tpu.memory_space<hbm>>
      tpu.enqueue_dma source(%dma_start3A_7 : memref<256xi32, #tpu.memory_space<hbm>>) target(%arg5 : memref<256xi32, #tpu.memory_space<vmem>>) target_semaphore(%run_scoped3A : memref<!tpu.dma_semaphore, #tpu.memory_space<semaphore_mem>>)
      %dma_wait3A = tpu.memref_slice %arg3[%mul3A_2] : memref<8192xi32, #tpu.memory_space<hbm>> -> memref<256xi32, #tpu.memory_space<hbm>>
      %dma_wait3A_8 = tpu.memref_slice %arg3[%mul3A_2] : memref<8192xi32, #tpu.memory_space<hbm>> -> memref<256xi32, #tpu.memory_space<hbm>>
      tpu.wait_dma2 semaphore(%run_scoped3A : memref<!tpu.dma_semaphore, #tpu.memory_space<semaphore_mem>>) src(%dma_wait3A_8 : memref<256xi32, #tpu.memory_space<hbm>>) dst(%arg5 : memref<256xi32, #tpu.memory_space<vmem>>)
      tpu.yield
    }) : () -> ()
    %scan3A = arith.constant 0 : i32
    %scan3A_3 = arith.constant 4 : i32
    %scan3A_4 = arith.addi %scan3A, %scan3A_3 : i32
    %scan3A_5 = arith.constant 1 : i32
    scf.for %scan3A_7 = %scan3A to %scan3A_4 step %scan3A_5  : i32 {
      %mul3A_8 = arith.constant 1 : i32
      %mul3A_9 = arith.muli %scan3A_7, %mul3A_8 : i32
      %add3A_10 = arith.constant 0 : i32
      %add3A_11 = arith.addi %add3A_10, %mul3A_9 : i32
      %mul3A_12 = arith.constant 64 : i32
      %mul3A_13 = arith.muli %add3A_11, %mul3A_12 : i32
      %dma_start3A = tpu.memref_slice %arg5[%mul3A_13] : memref<256xi32, #tpu.memory_space<vmem>> -> memref<64xi32, #tpu.memory_space<vmem>>
      %dma_start3A_14 = arith.constant 0 : i32
      %dma_start3A_15 = arith.constant 0 : i32
      %dma_start3A_16 = tpu.memref_slice %arg2[%dma_start3A_14, %dma_start3A_15] : memref<2880x1024xf32, #tpu.memory_space<hbm>> -> memref<2880x1024xf32, #tpu.memory_space<hbm>>
      tpu.enqueue_indirect_dma source(%dma_start3A_16 : memref<2880x1024xf32, #tpu.memory_space<hbm>>) target(%arg6 : memref<64x1024xf32, #tpu.memory_space<vmem>>) offsets(%dma_start3A : memref<64xi32, #tpu.memory_space<vmem>>) semaphore(%arg7 : memref<!tpu.dma_semaphore, #tpu.memory_space<semaphore_mem>>)
      %dma_wait3A = tpu.memref_slice %arg5[%mul3A_13] : memref<256xi32, #tpu.memory_space<vmem>> -> memref<64xi32, #tpu.memory_space<vmem>>
      %dma_wait3A_17 = arith.constant 0 : i32
      %dma_wait3A_18 = arith.constant 0 : i32
      %dma_wait3A_19 = tpu.memref_slice %arg2[%dma_wait3A_17, %dma_wait3A_18] : memref<2880x1024xf32, #tpu.memory_space<hbm>> -> memref<2880x1024xf32, #tpu.memory_space<hbm>>
      tpu.wait_indirect_dma semaphore(%arg7 : memref<!tpu.dma_semaphore, #tpu.memory_space<semaphore_mem>>) src(%dma_wait3A_19 : memref<2880x1024xf32, #tpu.memory_space<hbm>>) dst(%arg6 : memref<64x1024xf32, #tpu.memory_space<vmem>>)
      %mul3A_20 = arith.constant 64 : i32
      %mul3A_21 = arith.muli %add3A_11, %mul3A_20 : i32
      %add3A_22 = arith.addi %mul3A_2, %mul3A_21 : i32
      "tpu.region"() ({
        %run_scoped3A = tpu.sem_alloc : memref<!tpu.dma_semaphore, #tpu.memory_space<semaphore_mem>>
        %dma_start3A_23 = arith.constant 0 : i32
        %dma_start3A_24 = tpu.memref_slice %arg4[%add3A_22, %dma_start3A_23] : memref<8192x1024xf32, #tpu.memory_space<hbm>> -> memref<64x1024xf32, #tpu.memory_space<hbm>>
        %dma_start3A_25 = arith.constant 0 : i32
        %dma_start3A_26 = tpu.memref_slice %arg4[%add3A_22, %dma_start3A_25] : memref<8192x1024xf32, #tpu.memory_space<hbm>> -> memref<64x1024xf32, #tpu.memory_space<hbm>>
        tpu.enqueue_dma source(%arg6 : memref<64x1024xf32, #tpu.memory_space<vmem>>) target(%dma_start3A_26 : memref<64x1024xf32, #tpu.memory_space<hbm>>) target_semaphore(%run_scoped3A : memref<!tpu.dma_semaphore, #tpu.memory_space<semaphore_mem>>)
        %dma_wait3A_27 = arith.constant 0 : i32
        %dma_wait3A_28 = tpu.memref_slice %arg4[%add3A_22, %dma_wait3A_27] : memref<8192x1024xf32, #tpu.memory_space<hbm>> -> memref<64x1024xf32, #tpu.memory_space<hbm>>
        %dma_wait3A_29 = arith.constant 0 : i32
        %dma_wait3A_30 = tpu.memref_slice %arg4[%add3A_22, %dma_wait3A_29] : memref<8192x1024xf32, #tpu.memory_space<hbm>> -> memref<64x1024xf32, #tpu.memory_space<hbm>>
        tpu.wait_dma2 semaphore(%run_scoped3A : memref<!tpu.dma_semaphore, #tpu.memory_space<semaphore_mem>>) src(%arg6 : memref<64x1024xf32, #tpu.memory_space<vmem>>) dst(%dma_wait3A_30 : memref<64x1024xf32, #tpu.memory_space<hbm>>)
        tpu.yield
      }) : () -> ()
    }
    %scan3A_6 = arith.constant 4 : i32
    return
  }
}

#map = affine_map<(d0, d1) -> (0, 0)>
#map1 = affine_map<(d0, d1) -> (0)>
module attributes {stable_mosaic.version = 14 : i64} {
  func.func @_dispatch_body(%arg0: i32, %arg1: i32, %arg2: memref<8192x1024xf32, #tpu.memory_space<hbm>>, %arg3: memref<8192xi32, #tpu.memory_space<hbm>>, %arg4: memref<2560x1024xf32, #tpu.memory_space<hbm>>, %arg5: memref<8192xi32, #tpu.memory_space<vmem>>, %arg6: memref<2880xi32, #tpu.memory_space<vmem>>, %arg7: memref<2880xi32, #tpu.memory_space<vmem_shared>>, %arg8: memref<80xi32, #tpu.memory_space<vmem>>, %arg9: memref<80x1024xf32, #tpu.memory_space<vmem>>, %arg10: memref<!tpu.dma_semaphore, #tpu.memory_space<semaphore_mem>>) attributes {dimension_semantics = [#tpu.dimension_semantics<core_parallel>, #tpu.dimension_semantics<subcore_parallel>], iteration_bounds = array<i64: 2, 16>, scalar_prefetch = 0 : i64, scratch_operands = 6 : i64, tpu.core_type = #tpu.core_type<sc_vector_subcore>, window_params = [{transform_indices = #map}, {transform_indices = #map1}, {transform_indices = #map}]} {
    %eq3A = arith.constant 0 : i32
    %eq3A_0 = arith.cmpi eq, %arg1, %eq3A : i32
    %convert_element_type3A = arith.extui %eq3A_0 : i1 to i32
    %cond3A = arith.constant 0 : i32
    %cond3A_1 = arith.cmpi ne, %convert_element_type3A, %cond3A : i32
    scf.if %cond3A_1 {
      "tpu.region"() ({
        %run_scoped3A = tpu.sem_alloc : memref<!tpu.dma_semaphore, #tpu.memory_space<semaphore_mem>>
        tpu.enqueue_dma source(%arg3 : memref<8192xi32, #tpu.memory_space<hbm>>) target(%arg5 : memref<8192xi32, #tpu.memory_space<vmem>>) target_semaphore(%run_scoped3A : memref<!tpu.dma_semaphore, #tpu.memory_space<semaphore_mem>>)
        tpu.wait_dma2 semaphore(%run_scoped3A : memref<!tpu.dma_semaphore, #tpu.memory_space<semaphore_mem>>) src(%arg3 : memref<8192xi32, #tpu.memory_space<hbm>>) dst(%arg5 : memref<8192xi32, #tpu.memory_space<vmem>>)
        tpu.yield
      }) : () -> ()
      %scan3A = arith.constant 0 : i32
      %scan3A_9 = arith.constant 180 : i32
      %scan3A_10 = arith.addi %scan3A, %scan3A_9 : i32
      %scan3A_11 = arith.constant 1 : i32
      scf.for %scan3A_18 = %scan3A to %scan3A_10 step %scan3A_11  : i32 {
        %mul3A_19 = arith.constant 1 : i32
        %mul3A_20 = arith.muli %scan3A_18, %mul3A_19 : i32
        %add3A_21 = arith.constant 0 : i32
        %add3A_22 = arith.addi %add3A_21, %mul3A_20 : i32
        %broadcast_in_dim3A = arith.constant 0 : i32
        %broadcast_in_dim3A_23 = vector.broadcast %broadcast_in_dim3A : i32 to vector<16xi32>
        %mul3A_24 = arith.constant 16 : i32
        %mul3A_25 = arith.muli %add3A_22, %mul3A_24 : i32
        %swap3A = arith.index_cast %mul3A_25 : i32 to index
        %swap3A_26 = tpu.vector_load %arg6[%swap3A] {strides = array<i32>} : memref<2880xi32, #tpu.memory_space<vmem>>, vector<16xi32>,
        tpu.vector_store %arg6[%swap3A], %broadcast_in_dim3A_23 {strides = array<i32>} : memref<2880xi32, #tpu.memory_space<vmem>>, vector<16xi32>,
      }
      %scan3A_12 = arith.constant 180 : i32
      %scan3A_13 = arith.constant 0 : i32
      %scan3A_14 = arith.constant 512 : i32
      %scan3A_15 = arith.addi %scan3A_13, %scan3A_14 : i32
      %scan3A_16 = arith.constant 1 : i32
      scf.for %scan3A_18 = %scan3A_13 to %scan3A_15 step %scan3A_16  : i32 {
        %mul3A_19 = arith.constant 1 : i32
        %mul3A_20 = arith.muli %scan3A_18, %mul3A_19 : i32
        %add3A_21 = arith.constant 0 : i32
        %add3A_22 = arith.addi %add3A_21, %mul3A_20 : i32
        %mul3A_23 = arith.constant 16 : i32
        %mul3A_24 = arith.muli %add3A_22, %mul3A_23 : i32
        %get3A = arith.index_cast %mul3A_24 : i32 to index
        %get3A_25 = tpu.vector_load %arg5[%get3A] {strides = array<i32>} : memref<8192xi32, #tpu.memory_space<vmem>>, vector<16xi32>,
        %iota3A = tpu.iota {dimensions = array<i32: 0>} : vector<16xi32>
        %mul3A_26 = arith.constant 16 : i32
        %mul3A_27 = arith.muli %add3A_22, %mul3A_26 : i32
        %add3A_28 = vector.broadcast %mul3A_27 : i32 to vector<16xi32>
        %add3A_29 = arith.addi %iota3A, %add3A_28 : vector<16xi32>
        tpu.vector_store_idx %arg6[%get3A_25], %add3A_29 : memref<2880xi32, #tpu.memory_space<vmem>>[vector<16xi32>], vector<16xi32>,
      }
      %scan3A_17 = arith.constant 512 : i32
      "tpu.region"() ({
        %run_scoped3A = tpu.sem_alloc : memref<!tpu.dma_semaphore, #tpu.memory_space<semaphore_mem>>
        tpu.enqueue_dma source(%arg6 : memref<2880xi32, #tpu.memory_space<vmem>>) target(%arg7 : memref<2880xi32, #tpu.memory_space<vmem_shared>>) target_semaphore(%run_scoped3A : memref<!tpu.dma_semaphore, #tpu.memory_space<semaphore_mem>>)
        tpu.wait_dma2 semaphore(%run_scoped3A : memref<!tpu.dma_semaphore, #tpu.memory_space<semaphore_mem>>) src(%arg6 : memref<2880xi32, #tpu.memory_space<vmem>>) dst(%arg7 : memref<2880xi32, #tpu.memory_space<vmem_shared>>)
        tpu.yield
      }) : () -> ()
    } else {
    }
    %barrier3A = arith.constant 0 : index
    tpu.barrier barrier_id(%barrier3A)
    %mul3A = arith.constant 1280 : i32
    %mul3A_2 = arith.muli %arg0, %mul3A : i32
    %mul3A_3 = arith.constant 80 : i32
    %mul3A_4 = arith.muli %arg1, %mul3A_3 : i32
    %add3A = arith.addi %mul3A_2, %mul3A_4 : i32
    "tpu.region"() ({
      %run_scoped3A = tpu.sem_alloc : memref<!tpu.dma_semaphore, #tpu.memory_space<semaphore_mem>>
      %dma_start3A_9 = tpu.memref_slice %arg7[%add3A] : memref<2880xi32, #tpu.memory_space<vmem_shared>> -> memref<80xi32, #tpu.memory_space<vmem_shared>>
      %dma_start3A_10 = tpu.memref_slice %arg7[%add3A] : memref<2880xi32, #tpu.memory_space<vmem_shared>> -> memref<80xi32, #tpu.memory_space<vmem_shared>>
      tpu.enqueue_dma source(%dma_start3A_10 : memref<80xi32, #tpu.memory_space<vmem_shared>>) target(%arg8 : memref<80xi32, #tpu.memory_space<vmem>>) target_semaphore(%run_scoped3A : memref<!tpu.dma_semaphore, #tpu.memory_space<semaphore_mem>>)
      %dma_wait3A_11 = tpu.memref_slice %arg7[%add3A] : memref<2880xi32, #tpu.memory_space<vmem_shared>> -> memref<80xi32, #tpu.memory_space<vmem_shared>>
      %dma_wait3A_12 = tpu.memref_slice %arg7[%add3A] : memref<2880xi32, #tpu.memory_space<vmem_shared>> -> memref<80xi32, #tpu.memory_space<vmem_shared>>
      tpu.wait_dma2 semaphore(%run_scoped3A : memref<!tpu.dma_semaphore, #tpu.memory_space<semaphore_mem>>) src(%dma_wait3A_12 : memref<80xi32, #tpu.memory_space<vmem_shared>>) dst(%arg8 : memref<80xi32, #tpu.memory_space<vmem>>)
      tpu.yield
    }) : () -> ()
    %dma_start3A = arith.constant 0 : i32
    %dma_start3A_5 = arith.constant 0 : i32
    %dma_start3A_6 = tpu.memref_slice %arg2[%dma_start3A, %dma_start3A_5] : memref<8192x1024xf32, #tpu.memory_space<hbm>> -> memref<8192x1024xf32, #tpu.memory_space<hbm>>
    tpu.enqueue_indirect_dma source(%dma_start3A_6 : memref<8192x1024xf32, #tpu.memory_space<hbm>>) target(%arg9 : memref<80x1024xf32, #tpu.memory_space<vmem>>) offsets(%arg8 : memref<80xi32, #tpu.memory_space<vmem>>) semaphore(%arg10 : memref<!tpu.dma_semaphore, #tpu.memory_space<semaphore_mem>>)
    %dma_wait3A = arith.constant 0 : i32
    %dma_wait3A_7 = arith.constant 0 : i32
    %dma_wait3A_8 = tpu.memref_slice %arg2[%dma_wait3A, %dma_wait3A_7] : memref<8192x1024xf32, #tpu.memory_space<hbm>> -> memref<8192x1024xf32, #tpu.memory_space<hbm>>
    tpu.wait_indirect_dma semaphore(%arg10 : memref<!tpu.dma_semaphore, #tpu.memory_space<semaphore_mem>>) src(%dma_wait3A_8 : memref<8192x1024xf32, #tpu.memory_space<hbm>>) dst(%arg9 : memref<80x1024xf32, #tpu.memory_space<vmem>>)
    "tpu.region"() ({
      %run_scoped3A = tpu.sem_alloc : memref<!tpu.dma_semaphore, #tpu.memory_space<semaphore_mem>>
      %dma_start3A_9 = arith.constant 0 : i32
      %dma_start3A_10 = tpu.memref_slice %arg4[%add3A, %dma_start3A_9] : memref<2560x1024xf32, #tpu.memory_space<hbm>> -> memref<80x1024xf32, #tpu.memory_space<hbm>>
      %dma_start3A_11 = arith.constant 0 : i32
      %dma_start3A_12 = tpu.memref_slice %arg4[%add3A, %dma_start3A_11] : memref<2560x1024xf32, #tpu.memory_space<hbm>> -> memref<80x1024xf32, #tpu.memory_space<hbm>>
      tpu.enqueue_dma source(%arg9 : memref<80x1024xf32, #tpu.memory_space<vmem>>) target(%dma_start3A_12 : memref<80x1024xf32, #tpu.memory_space<hbm>>) target_semaphore(%run_scoped3A : memref<!tpu.dma_semaphore, #tpu.memory_space<semaphore_mem>>)
      %dma_wait3A_13 = arith.constant 0 : i32
      %dma_wait3A_14 = tpu.memref_slice %arg4[%add3A, %dma_wait3A_13] : memref<2560x1024xf32, #tpu.memory_space<hbm>> -> memref<80x1024xf32, #tpu.memory_space<hbm>>
      %dma_wait3A_15 = arith.constant 0 : i32
      %dma_wait3A_16 = tpu.memref_slice %arg4[%add3A, %dma_wait3A_15] : memref<2560x1024xf32, #tpu.memory_space<hbm>> -> memref<80x1024xf32, #tpu.memory_space<hbm>>
      tpu.wait_dma2 semaphore(%run_scoped3A : memref<!tpu.dma_semaphore, #tpu.memory_space<semaphore_mem>>) src(%arg9 : memref<80x1024xf32, #tpu.memory_space<vmem>>) dst(%dma_wait3A_16 : memref<80x1024xf32, #tpu.memory_space<hbm>>)
      tpu.yield
    }) : () -> ()
    return
  }
}

module attributes {stable_mosaic.version = 14 : i64} {
  func.func @_router_body(%arg0: i32, %arg1: memref<512x1024xf32, #tpu.memory_space<vmem>>, %arg2: memref<1024x8xf32, #tpu.memory_space<vmem>>, %arg3: memref<8x1xf32, #tpu.memory_space<vmem>>, %arg4: memref<1x1x512xi32, #tpu.memory_space<vmem>>, %arg5: memref<1x1xf32, #tpu.memory_space<vmem>>, %arg6: memref<8x1xf32, #tpu.memory_space<vmem>>, %arg7: memref<8x1xf32, #tpu.memory_space<vmem>>, %arg8: memref<512x512xf32, #tpu.memory_space<vmem>>) attributes {dimension_semantics = [#tpu.dimension_semantics<arbitrary>], iteration_bounds = array<i64: 16>, scalar_prefetch = 0 : i64, scratch_operands = 3 : i64, tpu.core_type = #tpu.core_type<tc>, window_params = [{transform_indices = @transform_0, window_bounds = array<i64: 512, 1024>}, {pipeline_mode = #tpu.pipeline_mode<synchronous>, transform_indices = @transform_1, window_bounds = array<i64: 1024, 8>}, {pipeline_mode = #tpu.pipeline_mode<synchronous>, transform_indices = @transform_2, window_bounds = array<i64: 8, 1>}, {transform_indices = @transform_3, window_bounds = array<i64: 1, 1, 512>}, {pipeline_mode = #tpu.pipeline_mode<synchronous>, transform_indices = @transform_4, window_bounds = array<i64: 1, 1>}]} {
    %eq3A = arith.constant 0 : i32
    %eq3A_0 = arith.cmpi eq, %arg0, %eq3A : i32
    %convert_element_type3A = arith.extui %eq3A_0 : i1 to i32
    %cond3A = arith.constant 0 : i32
    %cond3A_1 = arith.cmpi ne, %convert_element_type3A, %cond3A : i32
    scf.if %cond3A_1 {
      %broadcast_in_dim3A_118 = arith.constant 0.000000e+00 : f32
      %broadcast_in_dim3A_119 = vector.broadcast %broadcast_in_dim3A_118 : f32 to vector<8x1xf32>
      %swap3A_120 = arith.constant 0 : index
      %swap3A_121 = arith.constant 0 : index
      %swap3A_122 = vector.load %arg6[%swap3A_120, %swap3A_121] : memref<8x1xf32, #tpu.memory_space<vmem>>, vector<8x1xf32>
      tpu.vector_store %arg6[%swap3A_120, %swap3A_121], %broadcast_in_dim3A_119 {strides = array<i32>} : memref<8x1xf32, #tpu.memory_space<vmem>>, vector<8x1xf32>,
      %broadcast_in_dim3A_123 = arith.constant 0.000000e+00 : f32
      %broadcast_in_dim3A_124 = vector.broadcast %broadcast_in_dim3A_123 : f32 to vector<8x1xf32>
      %swap3A_125 = arith.constant 0 : index
      %swap3A_126 = arith.constant 0 : index
      %swap3A_127 = vector.load %arg7[%swap3A_125, %swap3A_126] : memref<8x1xf32, #tpu.memory_space<vmem>>, vector<8x1xf32>
      tpu.vector_store %arg7[%swap3A_125, %swap3A_126], %broadcast_in_dim3A_124 {strides = array<i32>} : memref<8x1xf32, #tpu.memory_space<vmem>>, vector<8x1xf32>,
      %iota3A_128 = tpu.iota {dimensions = array<i32: 0>} : vector<512x512xi32>
      %iota3A_129 = tpu.iota {dimensions = array<i32: 1>} : vector<512x512xi32>
      %le3A = arith.cmpi sle, %iota3A_128, %iota3A_129 : vector<512x512xi32>
      %convert_element_type3A_130 = arith.extui %le3A : vector<512x512xi1> to vector<512x512xi32>
      %convert_element_type3A_131 = arith.sitofp %convert_element_type3A_130 : vector<512x512xi32> to vector<512x512xf32>
      %swap3A_132 = arith.constant 0 : index
      %swap3A_133 = arith.constant 0 : index
      %swap3A_134 = vector.load %arg8[%swap3A_132, %swap3A_133] : memref<512x512xf32, #tpu.memory_space<vmem>>, vector<512x512xf32>
      tpu.vector_store %arg8[%swap3A_132, %swap3A_133], %convert_element_type3A_131 {strides = array<i32>} : memref<512x512xf32, #tpu.memory_space<vmem>>, vector<512x512xf32>,
    } else {
    }
    %get3A = arith.constant 0 : index
    %get3A_2 = arith.constant 0 : index
    %get3A_3 = vector.load %arg1[%get3A, %get3A_2] : memref<512x1024xf32, #tpu.memory_space<vmem>>, vector<512x1024xf32>
    %get3A_4 = arith.constant 0 : index
    %get3A_5 = arith.constant 0 : index
    %get3A_6 = vector.load %arg2[%get3A_4, %get3A_5] : memref<1024x8xf32, #tpu.memory_space<vmem>>, vector<1024x8xf32>
    %dot_general3A = arith.constant dense<0.000000e+00> : vector<8x512xf32>
    %dot_general3A_7 = tpu.matmul %get3A_6, %get3A_3, %dot_general3A {dimension_numbers = #tpu.dot_dimension_numbers<[0], [1], [1], [0], [0, 1, 1, 0], [], []>, transpose_lhs_hint = false} : vector<1024x8xf32>, vector<512x1024xf32>, vector<8x512xf32> -> vector<8x512xf32>
    %get3A_8 = arith.constant 0 : index
    %get3A_9 = arith.constant 0 : index
    %get3A_10 = vector.load %arg3[%get3A_8, %get3A_9] : memref<8x1xf32, #tpu.memory_space<vmem>>, vector<8x1xf32>
    %add3A = vector.broadcast %get3A_10 : vector<8x1xf32> to vector<8x512xf32>
    %add3A_11 = arith.addf %dot_general3A_7, %add3A : vector<8x512xf32>
    %reduce_max3A = arith.constant dense<0xFF800000> : vector<512xf32>
    %reduce_max3A_12 = vector.multi_reduction <maximumf>, %add3A_11, %reduce_max3A [0] : vector<8x512xf32> to vector<512xf32>
    %broadcast_in_dim3A = vector.shape_cast %reduce_max3A_12 : vector<512xf32> to vector<1x512xf32>
    %sub3A = vector.broadcast %broadcast_in_dim3A : vector<1x512xf32> to vector<8x512xf32>
    %sub3A_13 = arith.subf %add3A_11, %sub3A : vector<8x512xf32>
    %exp3A = math.exp %sub3A_13 : vector<8x512xf32>
    %reduce_sum3A = arith.constant dense<0.000000e+00> : vector<512xf32>
    %reduce_sum3A_14 = vector.multi_reduction <add>, %exp3A, %reduce_sum3A [0] : vector<8x512xf32> to vector<512xf32>
    %broadcast_in_dim3A_15 = vector.shape_cast %reduce_sum3A_14 : vector<512xf32> to vector<1x512xf32>
    %div3A = vector.broadcast %broadcast_in_dim3A_15 : vector<1x512xf32> to vector<8x512xf32>
    %div3A_16 = arith.divf %exp3A, %div3A : vector<8x512xf32>
    %iota3A = tpu.iota {dimensions = array<i32: 0>} : vector<8x512xi32>
    %eq3A_17 = vector.broadcast %broadcast_in_dim3A : vector<1x512xf32> to vector<8x512xf32>
    %eq3A_18 = arith.cmpf oeq, %add3A_11, %eq3A_17 : vector<8x512xf32>
    %jit3A = arith.constant 8 : i32
    %broadcast_in_dim3A_19 = vector.broadcast %jit3A : i32 to vector<8x512xi32>
    %select_n3A = arith.select %eq3A_18, %iota3A, %broadcast_in_dim3A_19 : vector<8x512xi1>, vector<8x512xi32>
    %reduce_min3A = arith.constant dense<2147483647> : vector<512xi32>
    %reduce_min3A_20 = vector.multi_reduction <minsi>, %select_n3A, %reduce_min3A [0] : vector<8x512xi32> to vector<512xi32>
    %broadcast_in_dim3A_21 = vector.shape_cast %reduce_min3A_20 : vector<512xi32> to vector<1x512xi32>
    %eq3A_22 = vector.broadcast %broadcast_in_dim3A_21 : vector<1x512xi32> to vector<8x512xi32>
    %eq3A_23 = arith.cmpi eq, %iota3A, %eq3A_22 : vector<8x512xi32>
    %convert_element_type3A_24 = arith.extui %eq3A_23 : vector<8x512xi1> to vector<8x512xi32>
    %convert_element_type3A_25 = arith.sitofp %convert_element_type3A_24 : vector<8x512xi32> to vector<8x512xf32>
    %get3A_26 = arith.constant 0 : index
    %get3A_27 = arith.constant 0 : index
    %get3A_28 = vector.load %arg8[%get3A_26, %get3A_27] : memref<512x512xf32, #tpu.memory_space<vmem>>, vector<512x512xf32>
    %dot_general3A_29 = arith.constant dense<0.000000e+00> : vector<8x512xf32>
    %dot_general3A_30 = tpu.matmul %convert_element_type3A_25, %get3A_28, %dot_general3A_29 {dimension_numbers = #tpu.dot_dimension_numbers<[1], [0], [0], [1], [0, 0, 1, 1], [], []>, transpose_lhs_hint = false} : vector<8x512xf32>, vector<512x512xf32>, vector<8x512xf32> -> vector<8x512xf32>
    %get3A_31 = arith.constant 0 : index
    %get3A_32 = arith.constant 0 : index
    %get3A_33 = vector.load %arg6[%get3A_31, %get3A_32] : memref<8x1xf32, #tpu.memory_space<vmem>>, vector<8x1xf32>
    %add3A_34 = vector.broadcast %get3A_33 : vector<8x1xf32> to vector<8x512xf32>
    %add3A_35 = arith.addf %dot_general3A_30, %add3A_34 : vector<8x512xf32>
    %mul3A = arith.mulf %convert_element_type3A_25, %add3A_35 : vector<8x512xf32>
    %reduce_sum3A_36 = arith.constant dense<0.000000e+00> : vector<512xf32>
    %reduce_sum3A_37 = vector.multi_reduction <add>, %mul3A, %reduce_sum3A_36 [0] : vector<8x512xf32> to vector<512xf32>
    %broadcast_in_dim3A_38 = vector.shape_cast %reduce_sum3A_37 : vector<512xf32> to vector<1x512xf32>
    %sub3A_39 = arith.constant 1.000000e+00 : f32
    %sub3A_40 = vector.broadcast %sub3A_39 : f32 to vector<1x512xf32>
    %sub3A_41 = arith.subf %broadcast_in_dim3A_38, %sub3A_40 : vector<1x512xf32>
    %lt3A = arith.constant 3.200000e+02 : f32
    %lt3A_42 = vector.broadcast %lt3A : f32 to vector<1x512xf32>
    %lt3A_43 = arith.cmpf olt, %sub3A_41, %lt3A_42 : vector<1x512xf32>
    %mul3A_44 = arith.constant 512 : i32
    %mul3A_45 = arith.muli %arg0, %mul3A_44 : i32
    %iota3A_46 = tpu.iota {dimensions = array<i32: 1>} : vector<1x512xi32>
    %add3A_47 = vector.broadcast %mul3A_45 : i32 to vector<1x512xi32>
    %add3A_48 = arith.addi %add3A_47, %iota3A_46 : vector<1x512xi32>
    %jit3A_49 = arith.constant 320 : i32
    %eq3A_50 = arith.constant 0 : i32
    %eq3A_51 = arith.cmpi eq, %jit3A_49, %eq3A_50 : i32
    %jit3A_52 = arith.constant 1 : i32
    %select_n3A_53 = arith.select %eq3A_51, %jit3A_52, %jit3A_49 : i32
    %rem3A = vector.broadcast %select_n3A_53 : i32 to vector<1x512xi32>
    %rem3A_54 = arith.remsi %add3A_48, %rem3A : vector<1x512xi32>
    %ne3A = arith.constant 0 : i32
    %ne3A_55 = vector.broadcast %ne3A : i32 to vector<1x512xi32>
    %ne3A_56 = arith.cmpi ne, %rem3A_54, %ne3A_55 : vector<1x512xi32>
    %lt3A_57 = arith.constant 0 : i32
    %lt3A_58 = vector.broadcast %lt3A_57 : i32 to vector<1x512xi32>
    %lt3A_59 = arith.cmpi slt, %rem3A_54, %lt3A_58 : vector<1x512xi32>
    %lt3A_60 = arith.constant 0 : i32
    %lt3A_61 = arith.cmpi slt, %select_n3A_53, %lt3A_60 : i32
    %ne3A_62 = vector.broadcast %lt3A_61 : i1 to vector<1x512xi1>
    %ne3A_63 = vector.broadcast %ne3A_62 : vector<1x512xi1> to vector<1x512xi1>
    %ne3A_64 = arith.xori %lt3A_59, %ne3A_63 : vector<1x512xi1>
    %and3A = arith.andi %ne3A_64, %ne3A_56 : vector<1x512xi1>
    %add3A_65 = vector.broadcast %select_n3A_53 : i32 to vector<1x512xi32>
    %add3A_66 = arith.addi %rem3A_54, %add3A_65 : vector<1x512xi32>
    %select_n3A_67 = arith.select %and3A, %add3A_66, %rem3A_54 : vector<1x512xi1>, vector<1x512xi32>
    %convert_element_type3A_68 = arith.sitofp %broadcast_in_dim3A_21 : vector<1x512xi32> to vector<1x512xf32>
    %mul3A_69 = arith.constant 3.200000e+02 : f32
    %mul3A_70 = vector.broadcast %mul3A_69 : f32 to vector<1x512xf32>
    %mul3A_71 = arith.mulf %convert_element_type3A_68, %mul3A_70 : vector<1x512xf32>
    %add3A_72 = arith.addf %mul3A_71, %sub3A_41 : vector<1x512xf32>
    %convert_element_type3A_73 = arith.sitofp %select_n3A_67 : vector<1x512xi32> to vector<1x512xf32>
    %add3A_74 = arith.constant 2.560000e+03 : f32
    %add3A_75 = vector.broadcast %add3A_74 : f32 to vector<1x512xf32>
    %add3A_76 = arith.addf %add3A_75, %convert_element_type3A_73 : vector<1x512xf32>
    %select_n3A_77 = arith.select %lt3A_43, %add3A_72, %add3A_76 : vector<1x512xi1>, vector<1x512xf32>
    %convert_element_type3A_78 = arith.fptosi %select_n3A_77 : vector<1x512xf32> to vector<1x512xi32>
    %reshape3A = vector.shape_cast %convert_element_type3A_78 : vector<1x512xi32> to vector<1x1x512xi32>
    %swap3A = arith.constant 0 : index
    %swap3A_79 = arith.constant 0 : index
    %swap3A_80 = arith.constant 0 : index
    %swap3A_81 = vector.load %arg4[%swap3A, %swap3A_79, %swap3A_80] : memref<1x1x512xi32, #tpu.memory_space<vmem>>, vector<1x1x512xi32>
    tpu.vector_store %arg4[%swap3A, %swap3A_79, %swap3A_80], %reshape3A {strides = array<i32>} : memref<1x1x512xi32, #tpu.memory_space<vmem>>, vector<1x1x512xi32>,
    %get3A_82 = arith.constant 0 : index
    %get3A_83 = arith.constant 0 : index
    %get3A_84 = vector.load %arg6[%get3A_82, %get3A_83] : memref<8x1xf32, #tpu.memory_space<vmem>>, vector<8x1xf32>
    %reduce_sum3A_85 = arith.constant dense<0.000000e+00> : vector<8xf32>
    %reduce_sum3A_86 = vector.multi_reduction <add>, %convert_element_type3A_25, %reduce_sum3A_85 [1] : vector<8x512xf32> to vector<8xf32>
    %broadcast_in_dim3A_87 = vector.shape_cast %reduce_sum3A_86 : vector<8xf32> to vector<8x1xf32>
    %add3A_88 = arith.addf %get3A_84, %broadcast_in_dim3A_87 : vector<8x1xf32>
    %swap3A_89 = arith.constant 0 : index
    %swap3A_90 = arith.constant 0 : index
    %swap3A_91 = vector.load %arg6[%swap3A_89, %swap3A_90] : memref<8x1xf32, #tpu.memory_space<vmem>>, vector<8x1xf32>
    tpu.vector_store %arg6[%swap3A_89, %swap3A_90], %add3A_88 {strides = array<i32>} : memref<8x1xf32, #tpu.memory_space<vmem>>, vector<8x1xf32>,
    %get3A_92 = arith.constant 0 : index
    %get3A_93 = arith.constant 0 : index
    %get3A_94 = vector.load %arg7[%get3A_92, %get3A_93] : memref<8x1xf32, #tpu.memory_space<vmem>>, vector<8x1xf32>
    %reduce_sum3A_95 = arith.constant dense<0.000000e+00> : vector<8xf32>
    %reduce_sum3A_96 = vector.multi_reduction <add>, %div3A_16, %reduce_sum3A_95 [1] : vector<8x512xf32> to vector<8xf32>
    %broadcast_in_dim3A_97 = vector.shape_cast %reduce_sum3A_96 : vector<8xf32> to vector<8x1xf32>
    %add3A_98 = arith.addf %get3A_94, %broadcast_in_dim3A_97 : vector<8x1xf32>
    %swap3A_99 = arith.constant 0 : index
    %swap3A_100 = arith.constant 0 : index
    %swap3A_101 = vector.load %arg7[%swap3A_99, %swap3A_100] : memref<8x1xf32, #tpu.memory_space<vmem>>, vector<8x1xf32>
    tpu.vector_store %arg7[%swap3A_99, %swap3A_100], %add3A_98 {strides = array<i32>} : memref<8x1xf32, #tpu.memory_space<vmem>>, vector<8x1xf32>,
    %get3A_102 = arith.constant 0 : index
    %get3A_103 = arith.constant 0 : index
    %get3A_104 = vector.load %arg6[%get3A_102, %get3A_103] : memref<8x1xf32, #tpu.memory_space<vmem>>, vector<8x1xf32>
    %get3A_105 = arith.constant 0 : index
    %get3A_106 = arith.constant 0 : index
    %get3A_107 = vector.load %arg7[%get3A_105, %get3A_106] : memref<8x1xf32, #tpu.memory_space<vmem>>, vector<8x1xf32>
    %mul3A_108 = arith.mulf %get3A_104, %get3A_107 : vector<8x1xf32>
    %reduce_sum3A_109 = arith.constant dense<0.000000e+00> : vector<1xf32>
    %reduce_sum3A_110 = vector.multi_reduction <add>, %mul3A_108, %reduce_sum3A_109 [0] : vector<8x1xf32> to vector<1xf32>
    %broadcast_in_dim3A_111 = vector.shape_cast %reduce_sum3A_110 : vector<1xf32> to vector<1x1xf32>
    %mul3A_112 = arith.constant 1.1920929E-7 : f32
    %mul3A_113 = vector.broadcast %mul3A_112 : f32 to vector<1x1xf32>
    %mul3A_114 = arith.mulf %mul3A_113, %broadcast_in_dim3A_111 : vector<1x1xf32>
    %swap3A_115 = arith.constant 0 : index
    %swap3A_116 = arith.constant 0 : index
    %swap3A_117 = vector.load %arg5[%swap3A_115, %swap3A_116] : memref<1x1xf32, #tpu.memory_space<vmem>>, vector<1x1xf32>
    tpu.vector_store %arg5[%swap3A_115, %swap3A_116], %mul3A_114 {strides = array<i32>} : memref<1x1xf32, #tpu.memory_space<vmem>>, vector<1x1xf32>,
    return
  }
  func.func @transform_0(%arg0: i32) -> (i32, i32) {
    %c0_i32 = arith.constant 0 : i32
    %c0_i32_0 = arith.constant 0 : i32
    return %arg0, %c0_i32 : i32, i32
  }
  func.func @transform_1(%arg0: i32) -> (i32, i32) {
    %c0_i32 = arith.constant 0 : i32
    %c0_i32_0 = arith.constant 0 : i32
    %c0_i32_1 = arith.constant 0 : i32
    return %c0_i32, %c0_i32_0 : i32, i32
  }
  func.func @transform_2(%arg0: i32) -> (i32, i32) {
    %c0_i32 = arith.constant 0 : i32
    %c0_i32_0 = arith.constant 0 : i32
    %c0_i32_1 = arith.constant 0 : i32
    return %c0_i32, %c0_i32_0 : i32, i32
  }
  func.func @transform_3(%arg0: i32) -> (i32, i32, i32) {
    %c0_i32 = arith.constant 0 : i32
    %c0_i32_0 = arith.constant 0 : i32
    %c0_i32_1 = arith.constant 0 : i32
    return %arg0, %c0_i32, %c0_i32_0 : i32, i32, i32
  }
  func.func @transform_4(%arg0: i32) -> (i32, i32) {
    %c0_i32 = arith.constant 0 : i32
    %c0_i32_0 = arith.constant 0 : i32
    %c0_i32_1 = arith.constant 0 : i32
    return %c0_i32, %c0_i32_0 : i32, i32
  }
}

module attributes {stable_mosaic.version = 14 : i64} {
  func.func @_ffn_body(%arg0: i32, %arg1: i32, %arg2: memref<320x1024xf32, #tpu.memory_space<vmem>>, %arg3: memref<1x1024x2048xf32, #tpu.memory_space<vmem>>, %arg4: memref<1x1x2048xf32, #tpu.memory_space<vmem>>, %arg5: memref<1x2048x1024xf32, #tpu.memory_space<vmem>>, %arg6: memref<1x1x1024xf32, #tpu.memory_space<vmem>>, %arg7: memref<320x1024xf32, #tpu.memory_space<vmem>>) attributes {dimension_semantics = [#tpu.dimension_semantics<arbitrary>, #tpu.dimension_semantics<arbitrary>], iteration_bounds = array<i64: 9, 2>, scalar_prefetch = 0 : i64, scratch_operands = 0 : i64, tpu.core_type = #tpu.core_type<tc>, window_params = [{transform_indices = @transform_0, window_bounds = array<i64: 320, 1024>}, {transform_indices = @transform_1, window_bounds = array<i64: 1, 1024, 2048>}, {transform_indices = @transform_2, window_bounds = array<i64: 1, 1, 2048>}, {transform_indices = @transform_3, window_bounds = array<i64: 1, 2048, 1024>}, {transform_indices = @transform_4, window_bounds = array<i64: 1, 1, 1024>}, {transform_indices = @transform_5, window_bounds = array<i64: 320, 1024>}]} {
    %lt3A = arith.constant 8 : i32
    %lt3A_0 = arith.cmpi slt, %arg0, %lt3A : i32
    %get3A = arith.constant 0 : index
    %get3A_1 = arith.constant 0 : index
    %get3A_2 = vector.load %arg2[%get3A, %get3A_1] : memref<320x1024xf32, #tpu.memory_space<vmem>>, vector<320x1024xf32>
    %jit3A = arith.constant 0.000000e+00 : f32
    %broadcast_in_dim3A = vector.broadcast %jit3A : f32 to vector<320x1024xf32>
    %select_n3A = arith.select %lt3A_0, %get3A_2, %broadcast_in_dim3A : vector<320x1024xf32>
    %convert_element_type3A = arith.truncf %select_n3A : vector<320x1024xf32> to vector<320x1024xbf16>
    %get3A_3 = arith.constant 0 : index
    %get3A_4 = arith.constant 0 : index
    %get3A_5 = arith.constant 0 : index
    %get3A_6 = vector.load %arg3[%get3A_3, %get3A_4, %get3A_5] : memref<1x1024x2048xf32, #tpu.memory_space<vmem>>, vector<1x1024x2048xf32>
    %get3A_7 = vector.shape_cast %get3A_6 : vector<1x1024x2048xf32> to vector<1024x2048xf32>
    %convert_element_type3A_8 = arith.truncf %get3A_7 : vector<1024x2048xf32> to vector<1024x2048xbf16>
    %dot_general3A = arith.constant dense<0.000000e+00> : vector<320x2048xf32>
    %dot_general3A_9 = tpu.matmul %convert_element_type3A, %convert_element_type3A_8, %dot_general3A {dimension_numbers = #tpu.dot_dimension_numbers<[1], [0], [0], [1], [0, 0, 1, 1], [], []>, transpose_lhs_hint = false} : vector<320x1024xbf16>, vector<1024x2048xbf16>, vector<320x2048xf32> -> vector<320x2048xf32>
    %get3A_10 = arith.constant 0 : index
    %get3A_11 = arith.constant 0 : index
    %get3A_12 = arith.constant 0 : index
    %get3A_13 = vector.load %arg4[%get3A_10, %get3A_11, %get3A_12] : memref<1x1x2048xf32, #tpu.memory_space<vmem>>, vector<1x1x2048xf32>
    %get3A_14 = vector.shape_cast %get3A_13 : vector<1x1x2048xf32> to vector<1x2048xf32>
    %add3A = vector.broadcast %get3A_14 : vector<1x2048xf32> to vector<320x2048xf32>
    %add3A_15 = arith.addf %dot_general3A_9, %add3A : vector<320x2048xf32>
    %max3A = arith.constant 0.000000e+00 : f32
    %max3A_16 = vector.broadcast %max3A : f32 to vector<320x2048xf32>
    %max3A_17 = arith.maximumf %add3A_15, %max3A_16 : vector<320x2048xf32>
    %convert_element_type3A_18 = arith.truncf %max3A_17 : vector<320x2048xf32> to vector<320x2048xbf16>
    %get3A_19 = arith.constant 0 : index
    %get3A_20 = arith.constant 0 : index
    %get3A_21 = arith.constant 0 : index
    %get3A_22 = vector.load %arg5[%get3A_19, %get3A_20, %get3A_21] : memref<1x2048x1024xf32, #tpu.memory_space<vmem>>, vector<1x2048x1024xf32>
    %get3A_23 = vector.shape_cast %get3A_22 : vector<1x2048x1024xf32> to vector<2048x1024xf32>
    %convert_element_type3A_24 = arith.truncf %get3A_23 : vector<2048x1024xf32> to vector<2048x1024xbf16>
    %dot_general3A_25 = arith.constant dense<0.000000e+00> : vector<320x1024xf32>
    %dot_general3A_26 = tpu.matmul %convert_element_type3A_18, %convert_element_type3A_24, %dot_general3A_25 {dimension_numbers = #tpu.dot_dimension_numbers<[1], [0], [0], [1], [0, 0, 1, 1], [], []>, transpose_lhs_hint = false} : vector<320x2048xbf16>, vector<2048x1024xbf16>, vector<320x1024xf32> -> vector<320x1024xf32>
    %eq3A = arith.constant 0 : i32
    %eq3A_27 = arith.cmpi eq, %arg1, %eq3A : i32
    %convert_element_type3A_28 = arith.extui %eq3A_27 : i1 to i32
    %cond3A = arith.constant 0 : i32
    %cond3A_29 = arith.cmpi ne, %convert_element_type3A_28, %cond3A : i32
    scf.if %cond3A_29 {
      %get3A_39 = arith.constant 0 : index
      %get3A_40 = arith.constant 0 : index
      %get3A_41 = arith.constant 0 : index
      %get3A_42 = vector.load %arg6[%get3A_39, %get3A_40, %get3A_41] : memref<1x1x1024xf32, #tpu.memory_space<vmem>>, vector<1x1x1024xf32>
      %get3A_43 = vector.shape_cast %get3A_42 : vector<1x1x1024xf32> to vector<1x1024xf32>
      %broadcast_in_dim3A_44 = vector.shape_cast %get3A_43 : vector<1x1024xf32> to vector<1x1024xf32>
      %broadcast_in_dim3A_45 = vector.broadcast %broadcast_in_dim3A_44 : vector<1x1024xf32> to vector<320x1024xf32>
      %jit3A_46 = arith.constant 0.000000e+00 : f32
      %broadcast_in_dim3A_47 = vector.broadcast %jit3A_46 : f32 to vector<320x1024xf32>
      %select_n3A_48 = arith.select %lt3A_0, %broadcast_in_dim3A_45, %broadcast_in_dim3A_47 : vector<320x1024xf32>
      %swap3A_49 = arith.constant 0 : index
      %swap3A_50 = arith.constant 0 : index
      %swap3A_51 = vector.load %arg7[%swap3A_49, %swap3A_50] : memref<320x1024xf32, #tpu.memory_space<vmem>>, vector<320x1024xf32>
      tpu.vector_store %arg7[%swap3A_49, %swap3A_50], %select_n3A_48 {strides = array<i32>} : memref<320x1024xf32, #tpu.memory_space<vmem>>, vector<320x1024xf32>,
    } else {
    }
    %get3A_30 = arith.constant 0 : index
    %get3A_31 = arith.constant 0 : index
    %get3A_32 = vector.load %arg7[%get3A_30, %get3A_31] : memref<320x1024xf32, #tpu.memory_space<vmem>>, vector<320x1024xf32>
    %jit3A_33 = arith.constant 0.000000e+00 : f32
    %broadcast_in_dim3A_34 = vector.broadcast %jit3A_33 : f32 to vector<320x1024xf32>
    %select_n3A_35 = arith.select %lt3A_0, %dot_general3A_26, %broadcast_in_dim3A_34 : vector<320x1024xf32>
    %add3A_36 = arith.addf %get3A_32, %select_n3A_35 : vector<320x1024xf32>
    %swap3A = arith.constant 0 : index
    %swap3A_37 = arith.constant 0 : index
    %swap3A_38 = vector.load %arg7[%swap3A, %swap3A_37] : memref<320x1024xf32, #tpu.memory_space<vmem>>, vector<320x1024xf32>
    tpu.vector_store %arg7[%swap3A, %swap3A_37], %add3A_36 {strides = array<i32>} : memref<320x1024xf32, #tpu.memory_space<vmem>>, vector<320x1024xf32>,
    return
  }
  func.func @transform_0(%arg0: i32, %arg1: i32) -> (i32, i32) {
    %min3A = arith.constant 7 : i32
    %min3A_0 = arith.minsi %arg0, %min3A : i32
    %c0_i32 = arith.constant 0 : i32
    %c0_i32_1 = arith.constant 0 : i32
    return %min3A_0, %c0_i32 : i32, i32
  }
  func.func @transform_1(%arg0: i32, %arg1: i32) -> (i32, i32, i32) {
    %min3A = arith.constant 7 : i32
    %min3A_0 = arith.minsi %arg0, %min3A : i32
    %eq3A = arith.constant 8 : i32
    %eq3A_1 = arith.cmpi eq, %arg0, %eq3A : i32
    %jit3A = arith.constant 1 : i32
    %select_n3A = arith.select %eq3A_1, %jit3A, %arg1 : i32
    %c0_i32 = arith.constant 0 : i32
    %c0_i32_2 = arith.constant 0 : i32
    return %min3A_0, %c0_i32, %select_n3A : i32, i32, i32
  }
  func.func @transform_2(%arg0: i32, %arg1: i32) -> (i32, i32, i32) {
    %min3A = arith.constant 7 : i32
    %min3A_0 = arith.minsi %arg0, %min3A : i32
    %eq3A = arith.constant 8 : i32
    %eq3A_1 = arith.cmpi eq, %arg0, %eq3A : i32
    %jit3A = arith.constant 1 : i32
    %select_n3A = arith.select %eq3A_1, %jit3A, %arg1 : i32
    %c0_i32 = arith.constant 0 : i32
    %c0_i32_2 = arith.constant 0 : i32
    return %min3A_0, %c0_i32, %select_n3A : i32, i32, i32
  }
  func.func @transform_3(%arg0: i32, %arg1: i32) -> (i32, i32, i32) {
    %min3A = arith.constant 7 : i32
    %min3A_0 = arith.minsi %arg0, %min3A : i32
    %eq3A = arith.constant 8 : i32
    %eq3A_1 = arith.cmpi eq, %arg0, %eq3A : i32
    %jit3A = arith.constant 1 : i32
    %select_n3A = arith.select %eq3A_1, %jit3A, %arg1 : i32
    %c0_i32 = arith.constant 0 : i32
    %c0_i32_2 = arith.constant 0 : i32
    return %min3A_0, %select_n3A, %c0_i32 : i32, i32, i32
  }
  func.func @transform_4(%arg0: i32, %arg1: i32) -> (i32, i32, i32) {
    %min3A = arith.constant 7 : i32
    %min3A_0 = arith.minsi %arg0, %min3A : i32
    %c0_i32 = arith.constant 0 : i32
    %c0_i32_1 = arith.constant 0 : i32
    %c0_i32_2 = arith.constant 0 : i32
    return %min3A_0, %c0_i32, %c0_i32_1 : i32, i32, i32
  }
  func.func @transform_5(%arg0: i32, %arg1: i32) -> (i32, i32) {
    %c0_i32 = arith.constant 0 : i32
    %c0_i32_0 = arith.constant 0 : i32
    return %arg0, %c0_i32 : i32, i32
  }
}

</mosaic_0001>

<sc_bundles>
// kernel: kernel.6.cloned.1.call-start
scs
__scs_entry_jumppad:
0x0: {  	(pc) =	sbr.rel $0x88, $3  }
0x1: {  	(tag) =	ssettag $0x0;
	lr =	simm.s32 $0x1  }
0x2: {  	[smem:$0x3F9A] =	sst lr;
	_ =	strace $0xD0000000  }
0x3: {  	_ = 	snop  }
0x4: {  	_ = 	snop  }
0x5: {  	_ = 	snop  }
0x6: {  	_ = 	snop  }
0x7: {  	_ = 	snop  }
__scs_overlays_trampoline_lowered:
0x8: {  	[smem:$0x3FA9] =	sst s0  }
0x9: {  	[smem:$0x3FAA] =	sst s1  }
0xa: {  	[smem:$0x3FAB] =	sst s2  }
0xb: {  	[smem:$0x3FAC] =	sst s3  }
0xc: {  	[smem:$0x3FAD] =	sst s4  }
0xd: {  	[smem:$0x3FAE] =	sst s5  }
0xe: {  	[smem:$0x3FAF] =	sst s6  }
0xf: {  	[smem:$0x3FB0] =	sst s7  }
0x10: {  	[smem:$0x3FB1] =	sst s8  }
0x11: {  	[smem:$0x3FB2] =	sst s9;
	s0 =	simm.s32 @!p0 $0x0  }
0x12: {  	s1 =	sld [smem:$0x3F98];
	s0 =	simm.s32 @p0 $0x1  }
0x13: {  	[smem:$0x3FB3] =	sst s0;
	s0 =	simm.s32 @!p1 $0x0  }
0x14: {  	s2 =	sld [smem:$0x3F97];
	s0 =	simm.s32 @p1 $0x1  }
0x15: {  	[smem:$0x3FB4] =	sst s0;
	s0 =	simm.s32 @!p2 $0x0  }
0x16: {  	s3 =	sld [smem:$0x3FDB];
	s0 =	simm.s32 @p2 $0x1  }
0x17: {  	s4 =	simm.s32 $0x1BF5;
	[smem:$0x3FB6] =	sst s0  }
0x18: {  	s0 =	sld [smem:$0x3F99];
	_ =	swait.ge [sflag:s4], $0x0  }
0x19: {  	s7 =	sld [smem:$0x3F9A]  }
0x1a: {  	s8 =	sadd.s32 $0xFFFFE003, lr  }
0x1b: {  	s9 =	sadd.s32 $0xFFFFFEF7, lr;
	s5 =	simm.s32 $0xFFFFFFFF;
	p2 =	slt.u32 s8, $0xFFFFF086  }
0x1c: {  	p1 =	slt.u32 s9, $0xF7A;
	s5 =	simm.s32 @!p2 $0x0  }
0x1d: {  	s5 =	simm.s32 @p1 $0x1;
	p0 =	seq.s32 s7, s2  }
0x1e: {  	s7 =	smul.u32 @!p0 $0xF7A, s2;
	p2 =	seq.s32 @!p0 s5, $0x0  }
0x1f: {  	s9 =	smul.u32 $0xF7A, s1;
	s8 =	simm.s32 @!p0 $0x1BF5;
	p2 =	por !p2, p0  }
0x20: {  	[sflag:s8] =	ssyncset.s32 @!p0 $0xFFFFF086;
	s6 =	sadd.s32 @!p0 s3, s7;
	s7 =	simm.s32 @!p0 $0x108  }
0x21: {  	s3 =	sadd.s32 s3, s9;
	s6 =	sadd.s32 @!p0 $0x88, s6;
	s7 =	simm.s32 @p2 $0x1082  }
0x22: {  	[simem:s7], [sflag:s8] =	dma.local @!p0 [hbm:s6], $0xF7A  }
0x23: {  	s9 =	sor.u32 $0xD0000000, s2;
	s6 =	simm.s32 $0x108;
	_ =	swait.ge @!p0 [sflag:s8], $0x0  }
0x24: {  	s3 =	sadd.s32 $0x88, s3;
	s6 =	simm.s32 @!p1 $0x1082;
	[sflag:s4] =	ssyncset.s32 $0xFFFFF086  }
0x25: {  	[simem:s6], [sflag:s4] =	dma.local [hbm:s3], $0xF7A  }
0x26: {  	[smem:$0x3F9A] =	sst s1;
	(tag) =	ssettag s2;
	_ =	strace s9  }
0x27: {  	s1 =	sld [smem:$0x3FAA]  }
0x28: {  	s2 =	sld [smem:$0x3FAB]  }
0x29: {  	s4 =	sld [smem:$0x3FAD]  }
0x2a: {  	p0 =	seq.s32 s5, $0x0;
	s5 =	sld [smem:$0x3FAE]  }
0x2b: {  	s6 =	sld [smem:$0x3FAF]  }
0x2c: {  	s7 =	sld [smem:$0x3FB0]  }
0x2d: {  	s3 =	simm.s32 $0x108;
	s8 =	sld [smem:$0x3FB1]  }
0x2e: {  	s3 =	simm.s32 @!p0 $0x1082;
	s9 =	sld [smem:$0x3FB2]  }
0x2f: {  	lr =	sadd.s32 s0, s3;
	s0 =	sld [smem:$0x3FA9]  }
0x30: {  	s3 =	sld [smem:$0x3FAC]  }
0x31: {  	[smem:$0x3FB5] =	sst s10  }
0x32: {  	s10 =	sld [smem:$0x3FB3];
	_ =	sdelay $0x3  }
0x33: {  	p0 =	seq.s32 s10, $0x1;
	s10 =	sld [smem:$0x3FB5];
	_ =	sdelay $0x3  }
0x34: {  	[smem:$0x3FB5] =	sst s10  }
0x35: {  	s10 =	sld [smem:$0x3FB4];
	_ =	sdelay $0x3  }
0x36: {  	p1 =	seq.s32 s10, $0x1;
	s10 =	sld [smem:$0x3FB5];
	_ =	sdelay $0x3  }
0x37: {  	[smem:$0x3FB5] =	sst s10  }
0x38: {  	s10 =	sld [smem:$0x3FB6]  }
0x39: {  	_ = 	snop;
	(pc) =	sbr.ind lr, $3  }
0x3a: {  	_ = 	snop  }
0x3b: {  	_ = 	snop  }
0x3c: {  	p2 =	seq.s32 s10, $0x1;
	s10 =	sld [smem:$0x3FB5]  }
0x3d: {  	_ =	shalt  }
0x3e: {  	_ =	shalt  }
0x3f: {  	_ =	shalt  }
0x40: {  	_ =	shalt  }
0x41: {  	_ =	shalt  }
0x42: {  	_ =	shalt  }
0x43: {  	_ =	shalt  }
0x44: {  	_ =	shalt  }
0x45: {  	_ =	shalt  }
0x46: {  	_ =	shalt  }
0x47: {  	_ =	shalt  }
0x48: {  	_ =	shalt  }
0x49: {  	_ =	shalt  }
0x4a: {  	_ =	shalt  }
0x4b: {  	_ =	shalt  }
0x4c: {  	_ =	shalt  }
0x4d: {  	_ =	shalt  }
0x4e: {  	_ =	shalt  }
0x4f: {  	_ =	shalt  }
0x50: {  	_ =	shalt  }
0x51: {  	_ =	shalt  }
0x52: {  	_ =	shalt  }
0x53: {  	_ =	shalt  }
0x54: {  	_ =	shalt  }
0x55: {  	_ =	shalt  }
0x56: {  	_ =	shalt  }
0x57: {  	_ =	shalt  }
0x58: {  	_ =	shalt  }
0x59: {  	_ =	shalt  }
0x5a: {  	_ =	shalt  }
0x5b: {  	_ =	shalt  }
0x5c: {  	_ =	shalt  }
0x5d: {  	_ =	shalt  }
0x5e: {  	_ =	shalt  }
0x5f: {  	_ =	shalt  }
0x60: {  	_ =	shalt  }
0x61: {  	_ =	shalt  }
0x62: {  	_ =	shalt  }
0x63: {  	_ =	shalt  }
0x64: {  	_ =	shalt  }
0x65: {  	_ =	shalt  }
0x66: {  	_ =	shalt  }
0x67: {  	_ =	shalt  }
0x68: {  	_ =	shalt  }
0x69: {  	_ =	shalt  }
0x6a: {  	_ =	shalt  }
0x6b: {  	_ =	shalt  }
0x6c: {  	_ =	shalt  }
0x6d: {  	_ =	shalt  }
0x6e: {  	_ =	shalt  }
0x6f: {  	_ =	shalt  }
0x70: {  	_ =	shalt  }
0x71: {  	_ =	shalt  }
0x72: {  	_ =	shalt  }
0x73: {  	_ =	shalt  }
0x74: {  	_ =	shalt  }
0x75: {  	_ =	shalt  }
0x76: {  	_ =	shalt  }
0x77: {  	_ =	shalt  }
0x78: {  	_ =	shalt  }
0x79: {  	_ =	shalt  }
0x7a: {  	_ =	shalt  }
0x7b: {  	_ =	shalt  }
0x7c: {  	_ =	shalt  }
0x7d: {  	_ =	shalt  }
0x7e: {  	_ =	shalt  }
0x7f: {  	_ =	shalt  }
0x80: {  	_ =	shalt  }
0x81: {  	_ =	shalt  }
0x82: {  	_ =	shalt  }
0x83: {  	_ =	shalt  }
0x84: {  	_ =	shalt  }
0x85: {  	_ =	shalt  }
0x86: {  	_ =	shalt  }
0x87: {  	_ =	shalt  }
.Lfunc_end0:
.L_simem_size_0:
called_computation_lowered:
.L_overlay_start_0:
0x88: {  	s2 =	sld [smem:$0x3FD9]  }
0x89: {  	s3 =	sld [smem:$0x3FFE];
	_ =	sdelay $0x1  }
0x8a: {  	s1 =	srdreg.scid  }
0x8b: {  	s0 =	sand.u32 $0x1, s1  }
0x8c: {  	s14 =	sshll.u32 s0, $0xA;
	s2 =	sadd.s32 s3, s2  }
0x8d: {  	s2 =	sadd.s32 s2, s14  }
0x8e: {  	[smem:$0x3FC1] =	sst s2  }
0x8f: {  	_ = 	snop  }
0x90: {  	s2 =	sld [smem:$0x3FD0];
	_ =	sdelay $0x2  }
0x91: {  	s4 =	simm.s32 $0xA;
	s5 =	simm.s32 $0x10;
	s15 =	sld [smem:$0x3FC9]  }
0x92: {  	[smem:s5], [sflag:s4] =	dma.local [hbm:s2], $0x1  }
0x93: {  	_ =	swait.eq [sflag:s4], $0x1  }
0x94: {  	[sflag:s4] =	ssyncset.done $0x0  }
0x95: {  	[sflag:s4] =	ssyncadd.s32 $0xFFFFFFFF  }
0x96: {  	s16 =	sld [smem:$0x10];
	(tm) =	ssettm $0x1  }
0x97: {  	s17 =	sld [smem:$0x3FFB];
	_ =	sdelay $0x3  }
0x98: {  	_ =	strace s17  }
0x99: {  	s4 =	sld [smem:$0x3FFC];
	_ =	sdelay $0x3  }
0x9a: {  	_ =	strace s4  }
0x9b: {  	s4 =	sld [smem:$0x3FFD];
	_ =	sdelay $0x3  }
0x9c: {  	_ =	strace s4  }
0x9d: {  	_ =	strace $0x8FFFFFFF  }
0x9e: {  	s18 =	sld [smem:$0x3FDB];
	_ =	sdelay $0x1  }
0x9f: {  	s19 =	simm.s32 $_scs_section_size  }
0xa0: {  	s6 =	simm.s32 $_size__tile_overlayer_lowered;
	s7 =	simm.s32 $_tile_overlayer_lowered  }
0xa1: {  	s22 =	simm.s32 $0x1BFF;
	s21 =	sshll.u32 s7, $0x1;
	s4 =	sadd.s32 s19, s18  }
0xa2: {  	s8 =	simm.s32 $0x0;
	s20 =	sshll.u32 s6, $0x1;
	s6 =	sadd.s32 s21, s4  }
0xa3: {  	[timem:s8], [sflag:s22] =	dma.local [hbm:s6], s20  }
0xa4: {  	_ =	swait.ge [sflag:s22], s20  }
0xa5: {  	s5 =	ssub.s32 $0x0, s20;
	[sflag:s22] =	ssyncset.done $0x0  }
0xa6: {  	[sflag:s22] =	ssyncadd.s32 s5;
	_ =	sdelay $0x1  }
0xa7: {  	s23 =	simm.s32 $0x1B8B  }
0xa8: {  	_ =	swait.ge [sflag:s23], $0x1  }
0xa9: {  	[sflag:s23] =	ssyncset.done $0x0  }
0xaa: {  	s25 =	simm.s32 $0x1B8E;
	s24 =	sld [smem:$0x3FFE];
	[sflag:s23] =	ssyncadd.s32 $0xFFFFFFFF  }
0xab: {  	s26 =	simm.s32 $execute0_lowered;
	[smem:$0x3FD2] =	sst s25  }
0xac: {  	s6 =	sshll.u32 s26, $0x1;
	_ =	strace $0x80000046;
	[dreg:$0x1] =	wrdreg $0xFFFFFFFF  }
0xad: {  	s28 =	simm.s32 $_size_execute0_lowered;
	s4 =	sadd.s32 s4, s6;
	[dreg:$0x0] =	wrdreg $0x0  }
0xae: {  	s6 =	sshll.u32 s28, $0x1;
	[dreg:$0x2] =	wrdreg s4  }
0xaf: {  	[dreg:$0x3] =	wrdreg s6  }
0xb0: {  	[dreg:$0x4] =	wrdreg $0xC0  }
0xb1: {  	_ =	task [dreg:s8], $0x5FFFF  }
0xb2: {  	[dreg:$0x1] =	wrdreg $0xFFFFFFFF  }
0xb3: {  	[dreg:$0x0] =	wrdreg $0x60  }
0xb4: {  	[dreg:$0x2] =	wrdreg s15  }
0xb5: {  	[dreg:$0x3] =	wrdreg s24  }
0xb6: {  	[dreg:$0x4] =	wrdreg s16  }
0xb7: {  	[dreg:$0x5] =	wrdreg $0x2B800  }
0xb8: {  	[dreg:$0x6] =	wrdreg $0x9  }
0xb9: {  	_ =	task.clear_ibuf [dreg:s8], $0x7FFFF;
	_ =	strace $0x90000046  }
0xba: {  	s29 =	simm.s32 $0x9;
	_ =	strace $0x80000048  }
0xbb: {  	_ =	swait.ge [sflag:s29], $0x1  }
0xbc: {  	[sflag:s29] =	ssyncadd.s32 $0xFFFFFFFF  }
0xbd: {  	_ =	strace $0x90000048  }
0xbe: {  	_ =	sfence  }
0xbf: {  	s30 =	sld [smem:$0x0];
	_ =	sdelay $0x2  }
0xc0: {  	s31 =	sshll.u32 s1, $0xD;
	s1 =	sshrl.u32 s1, $0x2  }
0xc1: {  	s3 =	sand.u32 $0x4000, s31;
	s1 =	sadd.s32 s1, s30  }
0xc2: {  	s0 =	sor.u32 s3, s0;
	s1 =	sshll.u32 s1, $0x11  }
0xc3: {  	s0 =	sor.u32 s1, s0  }
0xc4: {  	s0 =	sadd.s32 $0x8F2B, s0  }
0xc5: {  	[sflag:s0] =	ssyncadd.remote.s32 $0x1  }
0xc6: {  	_ =	sfence.sel $0xFFFF  }
0xc7: {  	[dreg:$0x0] =	wrdreg $0xFFFFFFFF;
	(pc) =	sbr.abs _section_cstart, $3  }
0xc8: {  	[dreg:$0x1] =	wrdreg $0xFFFFFFFF  }
0xc9: {  	_ =	task.clear_ibuf [dreg:s8], $0x2FFFF;
	_ =	strace $0x9FFFFFFF  }
0xca: {  	(tm) =	ssettm $0x7FFFFFFF  }
0xcb: {  	_ =	shalt  }
tec
execute0_lowered:
.L_overlay_start_1:
0x0: {  	(tag) =	ssettag $0x1  }
0x1: {  	s1 =	rddreg [dreg:$0x0]  }
0x2: {  	s0 =	rddreg [dreg:$0x1]  }
0x3: {  	s2 =	rddreg [dreg:$0x2]  }
0x4: {  	s7 =	rddreg [dreg:$0x3]  }
0x5: {  	s3 =	srdreg.scid;
	s11 =	stileid.u32;
	s12 =	simm.s32 $0x2000  }
0x6: {  	s16 =	simm.s32 $0x2C38;
	s14 =	simm.s32 $0x2CB8;
	s17 =	simm.s32 $0x34B8  }
0x7: {  	s18 =	simm.s32 $0x3CB8;
	s20 =	simm.s32 $0xFCB8;
	s21 =	simm.s32 $0x104B8  }
0x8: {  	s22 =	simm.s32 $0x10CB8;
	s23 =	simm.s32 $0x114B8;
	s24 =	simm.s32 $0x11CB8  }
0x9: {  	s28 =	simm.s32 $0x134B8;
	s29 =	simm.s32 $0x13CB8;
	s30 =	simm.s32 $0x144B8  }
0xa: {  	s31 =	simm.s32 $0x14CB8;
	s13 =	simm.s32 $0x1;
	s15 =	simm.s32 $0x0  }
0xb: {  	s4 =	sand.u32 $0x1, s3;
	s3 =	simm.s32 $0x0;
	s6 =	smul.u32 $0x50, s11  }
0xc: {  	s0 =	sadd.s32 $0x1000, s0;
	s8 =	sadd.s32 $0x300, s1;
	p0 =	sne.s32 s11, $0x0  }
0xd: {  	s11 =	simm.s32 $0x2;
	s5 =	smul.u32 $0x500, s4;
	[smem:$0x7FF] =	sst s3  }
0xe: {  	s4 =	ssub.s32 $0x2, s4;
	_ =	strace $0x80000047;
	[dreg:$0x5] =	wrdreg s0  }
.Ltmp0:
0xf: {  	s25 =	sshrl.u32 s4, $0x1;
	s9 =	sadd.s32 s6, s5;
	(pc) =	sbr.rel .LBB2_1-.Ltmp0, $4  }
0x10: {  	s0 =	ssub.s32 s4, s25;
	s6 =	sadd.s32 $0x100, s1;
	s25 =	simm.s32 $0x124B8  }
0x11: {  	v0 =	vlaneseq.u32;
	s4 =	simm.s32 $0x164B8;
	s5 =	sadd.s32 s9, s7;
	s7 =	sadd.s32 $0x200, s1  }
0x12: {  	v1 =	vimm.s32 $0x0;
	vm0 =	vmmov $0xffff;
	v3 =	vshrl.u32 v0, $0x3;
	s26 =	sshll.u32 s9, $0x7;
	s10 =	smax.u32 s0, $0x1;
	s0 =	simm.s32 $0x154B8  }
0x13: {  	v2 =	vand.u32 $0x7, v0;
	v4 =	vor.u32 $0x8, v0;
	v3 =	vmul.u32 $0x8, v3;
	s9 =	sadd.s32 s2, s26;
	s26 =	simm.s32 $0x12CB8;
	s2 =	simm.s32 $0x15CB8  }
.LBB2_7:
0x14: {  	[bflag:$0x0] =	sbarrier.arrive $0xFFFF  }
0x15: {  	[tilespmem:s16], [sflag:$0x2] =	stream.linear.gather [spmem:s5], $0x50, $0x38;
	[tilespmem:$0x16CB8] =	vst v63  }
0x16: {  	_ =	swait.ge [sflag:s11], $0x50  }
0x17: {  	[sflag:s11] =	ssyncset.done $0x0  }
0x18: {  	[sflag:s11] =	ssyncadd.s32 $0xFFFFFFB0  }
0x19: {  	v5 =	vld [tilespmem:$0x2C38];
	_ =	sdelay $0x4  }
0x1a: {  	v6 =	vshll.u32 v5, $0x3  }
0x1b: {  	v5 =	vand.u32 $0x7, v5;
	v6 =	vand.u32 $0xFFFFFFC0, v6  }
0x1c: {  	v5 =	vor.u32 v5, v6  }
0x1d: {  	v6 =	vperm.xlane v5, v2;
	_ =	sdelay $0x1  }
0x1e: {  	v6 =	vadd.s32 v3, v6;
	_ =	sdelay $0x4  }
0x1f: {  	[tilespmem:s14], [sflag:$0x1] =	stream.indirect_vreg.gather [hbm4b:s1+s3], $0x80, v6, vm0, $0xb8;
	[tilespmem:$0x16CB8] =	vst v63  }
0x20: {  	v5 =	vperm.xlane v5, v4  }
0x21: {  	[tilespmem:s17], [sflag:$0x1] =	stream.indirect_vreg.gather [hbm4b:s6+s3], $0x80, v6, vm0, $0xb8;
	[tilespmem:$0x16CB8] =	vst v63  }
0x22: {  	v5 =	vadd.s32 v3, v5  }
0x23: {  	[tilespmem:s18], [sflag:$0x1] =	stream.indirect_vreg.gather [hbm4b:s7+s3], $0x80, v6, vm0, $0xb8;
	[tilespmem:$0x16CB8] =	vst v63  }
0x24: {  	s19 =	simm.s32 $0x44B8  }
0x25: {  	[tilespmem:s19], [sflag:$0x1] =	stream.indirect_vreg.gather [hbm4b:s8+s3], $0x80, v6, vm0, $0xb8;
	[tilespmem:$0x16CB8] =	vst v63  }
0x26: {  	s19 =	simm.s32 $0x4CB8  }
0x27: {  	[tilespmem:s19], [sflag:$0x1] =	stream.indirect_vreg.gather [hbm4b:s1+s3], $0x80, v5, vm0, $0xb8;
	[tilespmem:$0x16CB8] =	vst v63  }
0x28: {  	s19 =	simm.s32 $0x54B8  }
0x29: {  	[tilespmem:s19], [sflag:$0x1] =	stream.indirect_vreg.gather [hbm4b:s6+s3], $0x80, v5, vm0, $0xb8;
	[tilespmem:$0x16CB8] =	vst v63  }
0x2a: {  	s19 =	simm.s32 $0x5CB8  }
0x2b: {  	[tilespmem:s19], [sflag:$0x1] =	stream.indirect_vreg.gather [hbm4b:s7+s3], $0x80, v5, vm0, $0xb8;
	[tilespmem:$0x16CB8] =	vst v63  }
0x2c: {  	s19 =	simm.s32 $0x64B8  }
0x2d: {  	[tilespmem:s19], [sflag:$0x1] =	stream.indirect_vreg.gather [hbm4b:s8+s3], $0x80, v5, vm0, $0xb8;
	[tilespmem:$0x16CB8] =	vst v63  }
0x2e: {  	v5 =	vld [tilespmem:$0x2C48];
	_ =	sdelay $0x4  }
0x2f: {  	v6 =	vshll.u32 v5, $0x3  }
0x30: {  	v5 =	vand.u32 $0x7, v5;
	v6 =	vand.u32 $0xFFFFFFC0, v6  }
0x31: {  	v5 =	vor.u32 v5, v6  }
0x32: {  	v6 =	vperm.xlane v5, v2;
	_ =	sdelay $0x1  }
0x33: {  	v6 =	vadd.s32 v3, v6;
	_ =	sdelay $0x3  }
0x34: {  	s19 =	simm.s32 $0x6CB8  }
0x35: {  	[tilespmem:s19], [sflag:$0x1] =	stream.indirect_vreg.gather [hbm4b:s1+s3], $0x80, v6, vm0, $0xb8;
	[tilespmem:$0x16CB8] =	vst v63  }
0x36: {  	v5 =	vperm.xlane v5, v4;
	s19 =	simm.s32 $0x74B8  }
0x37: {  	[tilespmem:s19], [sflag:$0x1] =	stream.indirect_vreg.gather [hbm4b:s6+s3], $0x80, v6, vm0, $0xb8;
	[tilespmem:$0x16CB8] =	vst v63  }
0x38: {  	v5 =	vadd.s32 v3, v5;
	s19 =	simm.s32 $0x7CB8  }
0x39: {  	[tilespmem:s19], [sflag:$0x1] =	stream.indirect_vreg.gather [hbm4b:s7+s3], $0x80, v6, vm0, $0xb8;
	[tilespmem:$0x16CB8] =	vst v63  }
0x3a: {  	s19 =	simm.s32 $0x84B8  }
0x3b: {  	[tilespmem:s19], [sflag:$0x1] =	stream.indirect_vreg.gather [hbm4b:s8+s3], $0x80, v6, vm0, $0xb8;
	[tilespmem:$0x16CB8] =	vst v63  }
0x3c: {  	s19 =	simm.s32 $0x8CB8  }
0x3d: {  	[tilespmem:s19], [sflag:$0x1] =	stream.indirect_vreg.gather [hbm4b:s1+s3], $0x80, v5, vm0, $0xb8;
	[tilespmem:$0x16CB8] =	vst v63  }
0x3e: {  	s19 =	simm.s32 $0x94B8  }
0x3f: {  	[tilespmem:s19], [sflag:$0x1] =	stream.indirect_vreg.gather [hbm4b:s6+s3], $0x80, v5, vm0, $0xb8;
	[tilespmem:$0x16CB8] =	vst v63  }
0x40: {  	s19 =	simm.s32 $0x9CB8  }
0x41: {  	[tilespmem:s19], [sflag:$0x1] =	stream.indirect_vreg.gather [hbm4b:s7+s3], $0x80, v5, vm0, $0xb8;
	[tilespmem:$0x16CB8] =	vst v63  }
0x42: {  	s19 =	simm.s32 $0xA4B8  }
0x43: {  	[tilespmem:s19], [sflag:$0x1] =	stream.indirect_vreg.gather [hbm4b:s8+s3], $0x80, v5, vm0, $0xb8;
	[tilespmem:$0x16CB8] =	vst v63  }
0x44: {  	v5 =	vld [tilespmem:$0x2C58];
	_ =	sdelay $0x4  }
0x45: {  	v6 =	vshll.u32 v5, $0x3  }
0x46: {  	v5 =	vand.u32 $0x7, v5;
	v6 =	vand.u32 $0xFFFFFFC0, v6  }
0x47: {  	v5 =	vor.u32 v5, v6  }
0x48: {  	v6 =	vperm.xlane v5, v2;
	_ =	sdelay $0x1  }
0x49: {  	v6 =	vadd.s32 v3, v6;
	_ =	sdelay $0x3  }
0x4a: {  	s19 =	simm.s32 $0xACB8  }
0x4b: {  	[tilespmem:s19], [sflag:$0x1] =	stream.indirect_vreg.gather [hbm4b:s1+s3], $0x80, v6, vm0, $0xb8;
	[tilespmem:$0x16CB8] =	vst v63  }
0x4c: {  	v5 =	vperm.xlane v5, v4;
	s19 =	simm.s32 $0xB4B8  }
0x4d: {  	[tilespmem:s19], [sflag:$0x1] =	stream.indirect_vreg.gather [hbm4b:s6+s3], $0x80, v6, vm0, $0xb8;
	[tilespmem:$0x16CB8] =	vst v63  }
0x4e: {  	v5 =	vadd.s32 v3, v5;
	s19 =	simm.s32 $0xBCB8  }
0x4f: {  	[tilespmem:s19], [sflag:$0x1] =	stream.indirect_vreg.gather [hbm4b:s7+s3], $0x80, v6, vm0, $0xb8;
	[tilespmem:$0x16CB8] =	vst v63  }
0x50: {  	s19 =	simm.s32 $0xC4B8  }
0x51: {  	[tilespmem:s19], [sflag:$0x1] =	stream.indirect_vreg.gather [hbm4b:s8+s3], $0x80, v6, vm0, $0xb8;
	[tilespmem:$0x16CB8] =	vst v63  }
0x52: {  	s19 =	simm.s32 $0xCCB8  }
0x53: {  	[tilespmem:s19], [sflag:$0x1] =	stream.indirect_vreg.gather [hbm4b:s1+s3], $0x80, v5, vm0, $0xb8;
	[tilespmem:$0x16CB8] =	vst v63  }
0x54: {  	s19 =	simm.s32 $0xD4B8  }
0x55: {  	[tilespmem:s19], [sflag:$0x1] =	stream.indirect_vreg.gather [hbm4b:s6+s3], $0x80, v5, vm0, $0xb8;
	[tilespmem:$0x16CB8] =	vst v63  }
0x56: {  	s19 =	simm.s32 $0xDCB8  }
0x57: {  	[tilespmem:s19], [sflag:$0x1] =	stream.indirect_vreg.gather [hbm4b:s7+s3], $0x80, v5, vm0, $0xb8;
	[tilespmem:$0x16CB8] =	vst v63  }
0x58: {  	s19 =	simm.s32 $0xE4B8  }
0x59: {  	[tilespmem:s19], [sflag:$0x1] =	stream.indirect_vreg.gather [hbm4b:s8+s3], $0x80, v5, vm0, $0xb8;
	[tilespmem:$0x16CB8] =	vst v63  }
0x5a: {  	v5 =	vld [tilespmem:$0x2C68];
	_ =	sdelay $0x4  }
0x5b: {  	v6 =	vshll.u32 v5, $0x3  }
0x5c: {  	v5 =	vand.u32 $0x7, v5;
	v6 =	vand.u32 $0xFFFFFFC0, v6  }
0x5d: {  	v5 =	vor.u32 v5, v6  }
0x5e: {  	v6 =	vperm.xlane v5, v2;
	_ =	sdelay $0x1  }
0x5f: {  	v6 =	vadd.s32 v3, v6;
	_ =	sdelay $0x3  }
0x60: {  	s19 =	simm.s32 $0xECB8  }
0x61: {  	[tilespmem:s19], [sflag:$0x1] =	stream.indirect_vreg.gather [hbm4b:s1+s3], $0x80, v6, vm0, $0xb8;
	[tilespmem:$0x16CB8] =	vst v63  }
0x62: {  	v5 =	vperm.xlane v5, v4;
	s19 =	simm.s32 $0xF4B8  }
0x63: {  	[tilespmem:s19], [sflag:$0x1] =	stream.indirect_vreg.gather [hbm4b:s6+s3], $0x80, v6, vm0, $0xb8;
	[tilespmem:$0x16CB8] =	vst v63  }
0x64: {  	v5 =	vadd.s32 v3, v5  }
0x65: {  	[tilespmem:s20], [sflag:$0x1] =	stream.indirect_vreg.gather [hbm4b:s7+s3], $0x80, v6, vm0, $0xb8;
	[tilespmem:$0x16CB8] =	vst v63  }
0x66: {  	_ = 	snop  }
0x67: {  	[tilespmem:s21], [sflag:$0x1] =	stream.indirect_vreg.gather [hbm4b:s8+s3], $0x80, v6, vm0, $0xb8;
	[tilespmem:$0x16CB8] =	vst v63  }
0x68: {  	_ = 	snop  }
0x69: {  	[tilespmem:s22], [sflag:$0x1] =	stream.indirect_vreg.gather [hbm4b:s1+s3], $0x80, v5, vm0, $0xb8;
	[tilespmem:$0x16CB8] =	vst v63  }
0x6a: {  	_ = 	snop  }
0x6b: {  	[tilespmem:s23], [sflag:$0x1] =	stream.indirect_vreg.gather [hbm4b:s6+s3], $0x80, v5, vm0, $0xb8;
	[tilespmem:$0x16CB8] =	vst v63  }
0x6c: {  	_ = 	snop  }
0x6d: {  	[tilespmem:s24], [sflag:$0x1] =	stream.indirect_vreg.gather [hbm4b:s7+s3], $0x80, v5, vm0, $0xb8;
	[tilespmem:$0x16CB8] =	vst v63  }
0x6e: {  	_ = 	snop  }
0x6f: {  	[tilespmem:s25], [sflag:$0x1] =	stream.indirect_vreg.gather [hbm4b:s8+s3], $0x80, v5, vm0, $0xb8;
	[tilespmem:$0x16CB8] =	vst v63  }
0x70: {  	v5 =	vld [tilespmem:$0x2C78];
	_ =	sdelay $0x4  }
0x71: {  	v6 =	vshll.u32 v5, $0x3  }
0x72: {  	v5 =	vand.u32 $0x7, v5;
	v6 =	vand.u32 $0xFFFFFFC0, v6  }
0x73: {  	v5 =	vor.u32 v5, v6  }
0x74: {  	v6 =	vperm.xlane v5, v2;
	_ =	sdelay $0x1  }
0x75: {  	v6 =	vadd.s32 v3, v6;
	_ =	sdelay $0x4  }
0x76: {  	[tilespmem:s26], [sflag:$0x1] =	stream.indirect_vreg.gather [hbm4b:s1+s3], $0x80, v6, vm0, $0xb8;
	[tilespmem:$0x16CB8] =	vst v63  }
0x77: {  	v5 =	vperm.xlane v5, v4  }
0x78: {  	[tilespmem:s28], [sflag:$0x1] =	stream.indirect_vreg.gather [hbm4b:s6+s3], $0x80, v6, vm0, $0xb8;
	[tilespmem:$0x16CB8] =	vst v63  }
0x79: {  	v5 =	vadd.s32 v3, v5  }
0x7a: {  	[tilespmem:s29], [sflag:$0x1] =	stream.indirect_vreg.gather [hbm4b:s7+s3], $0x80, v6, vm0, $0xb8;
	[tilespmem:$0x16CB8] =	vst v63  }
0x7b: {  	_ = 	snop  }
0x7c: {  	[tilespmem:s30], [sflag:$0x1] =	stream.indirect_vreg.gather [hbm4b:s8+s3], $0x80, v6, vm0, $0xb8;
	[tilespmem:$0x16CB8] =	vst v63  }
0x7d: {  	_ = 	snop  }
0x7e: {  	[tilespmem:s31], [sflag:$0x1] =	stream.indirect_vreg.gather [hbm4b:s1+s3], $0x80, v5, vm0, $0xb8;
	[tilespmem:$0x16CB8] =	vst v63  }
0x7f: {  	_ = 	snop  }
0x80: {  	[tilespmem:s0], [sflag:$0x1] =	stream.indirect_vreg.gather [hbm4b:s6+s3], $0x80, v5, vm0, $0xb8;
	[tilespmem:$0x16CB8] =	vst v63  }
0x81: {  	_ = 	snop  }
0x82: {  	[tilespmem:s2], [sflag:$0x1] =	stream.indirect_vreg.gather [hbm4b:s7+s3], $0x80, v5, vm0, $0xb8;
	[tilespmem:$0x16CB8] =	vst v63  }
0x83: {  	_ = 	snop  }
0x84: {  	[tilespmem:s4], [sflag:$0x1] =	stream.indirect_vreg.gather [hbm4b:s8+s3], $0x80, v5, vm0, $0xb8;
	[tilespmem:$0x16CB8] =	vst v63  }
0x85: {  	s15 =	sadd.s32 $0x1, s15;
	_ =	swait.ge [sflag:s13], $0x14000  }
0x86: {  	p1 =	sne.s32 s15, s10;
	[sflag:s13] =	ssyncset.done $0x0  }
.Ltmp1:
0x87: {  	[sflag:s13] =	ssyncadd.s32 $0xFFFEC000;
	(pc) =	sbr.rel @!p1 .LBB2_8-.Ltmp1, $4  }
0x88: {  	[hbm4b:s9+s3] =	stream.linear.scatter [tilespmem:s14], [sflag:$0x2], $0x14000, $0x38;
	[tilespmem:$0x16CB8] =	vst v63  }
0x89: {  	_ =	swait.ge [sflag:s11], $0x14000  }
0x8a: {  	[sflag:s11] =	ssyncset.done $0x0  }
0x8b: {  	[sflag:s11] =	ssyncadd.s32 $0xFFFEC000  }
.LBB2_1:
.Ltmp2:
0x8c: {  	(pc) =	sbr.rel @p0 .LBB2_7-.Ltmp2, $1  }
0x8d: {  	_ =	sdelay $0x3  }
0x8e: {  	s16 =	simm.s32 $0x0;
	s17 =	rddreg [dreg:$0x5]  }
0x8f: {  	[tilespmem:s16], [sflag:$0x2] =	stream.linear.gather [hbm4b:s17+s16], $0x2000, $0x38;
	[tilespmem:$0x16CB8] =	vst v63  }
0x90: {  	_ =	swait.ge [sflag:s11], $0x2000  }
0x91: {  	[sflag:s11] =	ssyncset.done $0x0  }
0x92: {  	s18 =	simm.s32 $0x0;
	s17 =	simm.s32 $0x40;
	[sflag:s11] =	ssyncadd.s32 $0xFFFFE000  }
.LBB2_3:
0x93: {  	p1 =	sne.s32 s17, $0x2CC0;
	[tilespmem:s18+$0x2000] =	vst v1;
	s18 =	smov.u32 s17;
	s17 =	sadd.s32 $0x40, s17  }
.Ltmp3:
0x94: {  	(pc) =	sbr.rel @p1 .LBB2_3-.Ltmp3, $2  }
0x95: {  	_ =	sdelay $0x2  }
0x96: {  	s18 =	sshra.s32 s18, $0x2  }
0x97: {  	[tilespmem:s18+$0x2000] =	vst v1  }
0x98: {  	s17 =	simm.s32 $0x10;
	s18 =	simm.s32 $0x0;
	v5 =	vld [tilespmem:s16+$0x0]  }
.LBB2_5:
0x99: {  	p1 =	sne.s32 s17, $0x1FF0;
	_ =	sdelay $0x3  }
.Ltmp4:
0x9a: {  	(pc) =	sbr.rel @p1 .LBB2_5-.Ltmp4, $4  }
0x9b: {  	_ = 	snop  }
0x9c: {  	v6 =	vor.u32 s16, v0;
	s16 =	smov.u32 s17  }
0x9d: {  	s18 =	sadd.s32 $0x10, s18;
	[tilespmem:v5+s12+$0x0] =	vst.idx.msk $0xffff, v6  }
0x9e: {  	s17 =	sadd.s32 $0x10, s17;
	v5 =	vld [tilespmem:s18+$0x0]  }
0x9f: {  	_ =	sdelay $0x6  }
0xa0: {  	v6 =	vor.u32 s16, v0  }
.Ltmp5:
0xa1: {  	s19 =	rddreg [dreg:$0x3];
	[tilespmem:v5+s12+$0x0] =	vst.idx.msk $0xffff, v6;
	(pc) =	sbr.rel .LBB2_7-.Ltmp5, $4  }
0xa2: {  	[spmem:s19] =	stream.linear.scatter [tilespmem:s12], [sflag:$0x2], $0xB80, $0x38;
	[tilespmem:$0x16CB8] =	vst v63  }
0xa3: {  	_ =	swait.ge [sflag:s11], $0xB80  }
0xa4: {  	s16 =	simm.s32 $0x2C38;
	[sflag:s11] =	ssyncset.done $0x0  }
0xa5: {  	s17 =	simm.s32 $0x34B8;
	s18 =	simm.s32 $0x3CB8;
	[sflag:s11] =	ssyncadd.s32 $0xFFFFF480  }
.LBB2_8:
0xa6: {  	_ =	sfence.sel $0x180000  }
0xa7: {  	[bflag:$0x0] =	sbarrier.arrive $0xFFFF  }
0xa8: {  	_ =	strace $0x90000047  }
0xa9: {  	[bflag:$0x2] =	sbarrier.arrive $0xFFFF  }
0xaa: {  	s0 =	rddreg [dreg:$0x4]  }
0xab: {  	s0 =	sadd.s32 @!p0 $0x100000, s0  }
0xac: {  	[sflag:s0] =	ssyncadd.tile.s32 @!p0 $0x1;
	_ =	shalt  }
.Lfunc_end2:
_tile_overlayer_lowered:
.L_overlay_start_2:
0xad: {  	(tag) =	ssettag $0x2  }
0xae: {  	s0 =	rddreg [dreg:$0x0];
	s2 =	stileid.u32  }
0xaf: {  	s1 =	rddreg [dreg:$0x1];
	p0 =	sne.s32 s2, $0x0  }
0xb0: {  	s3 =	rddreg [dreg:$0x2];
	[bflag:$0x3] =	sbarrier.arrive $0xFFFF;
	s2 =	simm.s32 @!p0 $0x1C02  }
0xb1: {  	[timem:s3], [sflag:s2] =	dma.local @!p0 [hbm:s0], s1  }
0xb2: {  	s0 =	simm.s32 @!p0 $0x2  }
0xb3: {  	_ =	swait.ge @!p0 [sflag:s0], s1  }
0xb4: {  	s1 =	ssub.s32 @!p0 $0x0, s1;
	[sflag:s0] =	ssyncset.done @!p0 $0x0  }
0xb5: {  	[sflag:s0] =	ssyncadd.s32 @!p0 s1  }
0xb6: {  	[bflag:$0x3] =	sbarrier.arrive $0xFFFF  }
0xb7: {  	_ =	shalt  }

// kernel: kernel.9.cloned.1.call-start
scs
__scs_entry_jumppad:
0x0: {  	(pc) =	sbr.rel $0x88, $3  }
0x1: {  	(tag) =	ssettag $0x0;
	lr =	simm.s32 $0x1  }
0x2: {  	[smem:$0x3F9A] =	sst lr;
	_ =	strace $0xD0000000  }
0x3: {  	_ = 	snop  }
0x4: {  	_ = 	snop  }
0x5: {  	_ = 	snop  }
0x6: {  	_ = 	snop  }
0x7: {  	_ = 	snop  }
__scs_overlays_trampoline_lowered:
0x8: {  	[smem:$0x3FA9] =	sst s0  }
0x9: {  	[smem:$0x3FAA] =	sst s1  }
0xa: {  	[smem:$0x3FAB] =	sst s2  }
0xb: {  	[smem:$0x3FAC] =	sst s3  }
0xc: {  	[smem:$0x3FAD] =	sst s4  }
0xd: {  	[smem:$0x3FAE] =	sst s5  }
0xe: {  	[smem:$0x3FAF] =	sst s6  }
0xf: {  	[smem:$0x3FB0] =	sst s7  }
0x10: {  	[smem:$0x3FB1] =	sst s8  }
0x11: {  	[smem:$0x3FB2] =	sst s9;
	s0 =	simm.s32 @!p0 $0x0  }
0x12: {  	s1 =	sld [smem:$0x3F98];
	s0 =	simm.s32 @p0 $0x1  }
0x13: {  	[smem:$0x3FB3] =	sst s0;
	s0 =	simm.s32 @!p1 $0x0  }
0x14: {  	s2 =	sld [smem:$0x3F97];
	s0 =	simm.s32 @p1 $0x1  }
0x15: {  	[smem:$0x3FB4] =	sst s0;
	s0 =	simm.s32 @!p2 $0x0  }
0x16: {  	s3 =	sld [smem:$0x3FDB];
	s0 =	simm.s32 @p2 $0x1  }
0x17: {  	s4 =	simm.s32 $0x1BF5;
	[smem:$0x3FB6] =	sst s0  }
0x18: {  	s0 =	sld [smem:$0x3F99];
	_ =	swait.ge [sflag:s4], $0x0  }
0x19: {  	s7 =	sld [smem:$0x3F9A]  }
0x1a: {  	s8 =	sadd.s32 $0xFFFFE003, lr  }
0x1b: {  	s9 =	sadd.s32 $0xFFFFFEF7, lr;
	s5 =	simm.s32 $0xFFFFFFFF;
	p2 =	slt.u32 s8, $0xFFFFF086  }
0x1c: {  	p1 =	slt.u32 s9, $0xF7A;
	s5 =	simm.s32 @!p2 $0x0  }
0x1d: {  	s5 =	simm.s32 @p1 $0x1;
	p0 =	seq.s32 s7, s2  }
0x1e: {  	s7 =	smul.u32 @!p0 $0xF7A, s2;
	p2 =	seq.s32 @!p0 s5, $0x0  }
0x1f: {  	s9 =	smul.u32 $0xF7A, s1;
	s8 =	simm.s32 @!p0 $0x1BF5;
	p2 =	por !p2, p0  }
0x20: {  	[sflag:s8] =	ssyncset.s32 @!p0 $0xFFFFF086;
	s6 =	sadd.s32 @!p0 s3, s7;
	s7 =	simm.s32 @!p0 $0x108  }
0x21: {  	s3 =	sadd.s32 s3, s9;
	s6 =	sadd.s32 @!p0 $0x88, s6;
	s7 =	simm.s32 @p2 $0x1082  }
0x22: {  	[simem:s7], [sflag:s8] =	dma.local @!p0 [hbm:s6], $0xF7A  }
0x23: {  	s9 =	sor.u32 $0xD0000000, s2;
	s6 =	simm.s32 $0x108;
	_ =	swait.ge @!p0 [sflag:s8], $0x0  }
0x24: {  	s3 =	sadd.s32 $0x88, s3;
	s6 =	simm.s32 @!p1 $0x1082;
	[sflag:s4] =	ssyncset.s32 $0xFFFFF086  }
0x25: {  	[simem:s6], [sflag:s4] =	dma.local [hbm:s3], $0xF7A  }
0x26: {  	[smem:$0x3F9A] =	sst s1;
	(tag) =	ssettag s2;
	_ =	strace s9  }
0x27: {  	s1 =	sld [smem:$0x3FAA]  }
0x28: {  	s2 =	sld [smem:$0x3FAB]  }
0x29: {  	s4 =	sld [smem:$0x3FAD]  }
0x2a: {  	p0 =	seq.s32 s5, $0x0;
	s5 =	sld [smem:$0x3FAE]  }
0x2b: {  	s6 =	sld [smem:$0x3FAF]  }
0x2c: {  	s7 =	sld [smem:$0x3FB0]  }
0x2d: {  	s3 =	simm.s32 $0x108;
	s8 =	sld [smem:$0x3FB1]  }
0x2e: {  	s3 =	simm.s32 @!p0 $0x1082;
	s9 =	sld [smem:$0x3FB2]  }
0x2f: {  	lr =	sadd.s32 s0, s3;
	s0 =	sld [smem:$0x3FA9]  }
0x30: {  	s3 =	sld [smem:$0x3FAC]  }
0x31: {  	[smem:$0x3FB5] =	sst s10  }
0x32: {  	s10 =	sld [smem:$0x3FB3];
	_ =	sdelay $0x3  }
0x33: {  	p0 =	seq.s32 s10, $0x1;
	s10 =	sld [smem:$0x3FB5];
	_ =	sdelay $0x3  }
0x34: {  	[smem:$0x3FB5] =	sst s10  }
0x35: {  	s10 =	sld [smem:$0x3FB4];
	_ =	sdelay $0x3  }
0x36: {  	p1 =	seq.s32 s10, $0x1;
	s10 =	sld [smem:$0x3FB5];
	_ =	sdelay $0x3  }
0x37: {  	[smem:$0x3FB5] =	sst s10  }
0x38: {  	s10 =	sld [smem:$0x3FB6]  }
0x39: {  	_ = 	snop;
	(pc) =	sbr.ind lr, $3  }
0x3a: {  	_ = 	snop  }
0x3b: {  	_ = 	snop  }
0x3c: {  	p2 =	seq.s32 s10, $0x1;
	s10 =	sld [smem:$0x3FB5]  }
0x3d: {  	_ =	shalt  }
0x3e: {  	_ =	shalt  }
0x3f: {  	_ =	shalt  }
0x40: {  	_ =	shalt  }
0x41: {  	_ =	shalt  }
0x42: {  	_ =	shalt  }
0x43: {  	_ =	shalt  }
0x44: {  	_ =	shalt  }
0x45: {  	_ =	shalt  }
0x46: {  	_ =	shalt  }
0x47: {  	_ =	shalt  }
0x48: {  	_ =	shalt  }
0x49: {  	_ =	shalt  }
0x4a: {  	_ =	shalt  }
0x4b: {  	_ =	shalt  }
0x4c: {  	_ =	shalt  }
0x4d: {  	_ =	shalt  }
0x4e: {  	_ =	shalt  }
0x4f: {  	_ =	shalt  }
0x50: {  	_ =	shalt  }
0x51: {  	_ =	shalt  }
0x52: {  	_ =	shalt  }
0x53: {  	_ =	shalt  }
0x54: {  	_ =	shalt  }
0x55: {  	_ =	shalt  }
0x56: {  	_ =	shalt  }
0x57: {  	_ =	shalt  }
0x58: {  	_ =	shalt  }
0x59: {  	_ =	shalt  }
0x5a: {  	_ =	shalt  }
0x5b: {  	_ =	shalt  }
0x5c: {  	_ =	shalt  }
0x5d: {  	_ =	shalt  }
0x5e: {  	_ =	shalt  }
0x5f: {  	_ =	shalt  }
0x60: {  	_ =	shalt  }
0x61: {  	_ =	shalt  }
0x62: {  	_ =	shalt  }
0x63: {  	_ =	shalt  }
0x64: {  	_ =	shalt  }
0x65: {  	_ =	shalt  }
0x66: {  	_ =	shalt  }
0x67: {  	_ =	shalt  }
0x68: {  	_ =	shalt  }
0x69: {  	_ =	shalt  }
0x6a: {  	_ =	shalt  }
0x6b: {  	_ =	shalt  }
0x6c: {  	_ =	shalt  }
0x6d: {  	_ =	shalt  }
0x6e: {  	_ =	shalt  }
0x6f: {  	_ =	shalt  }
0x70: {  	_ =	shalt  }
0x71: {  	_ =	shalt  }
0x72: {  	_ =	shalt  }
0x73: {  	_ =	shalt  }
0x74: {  	_ =	shalt  }
0x75: {  	_ =	shalt  }
0x76: {  	_ =	shalt  }
0x77: {  	_ =	shalt  }
0x78: {  	_ =	shalt  }
0x79: {  	_ =	shalt  }
0x7a: {  	_ =	shalt  }
0x7b: {  	_ =	shalt  }
0x7c: {  	_ =	shalt  }
0x7d: {  	_ =	shalt  }
0x7e: {  	_ =	shalt  }
0x7f: {  	_ =	shalt  }
0x80: {  	_ =	shalt  }
0x81: {  	_ =	shalt  }
0x82: {  	_ =	shalt  }
0x83: {  	_ =	shalt  }
0x84: {  	_ =	shalt  }
0x85: {  	_ =	shalt  }
0x86: {  	_ =	shalt  }
0x87: {  	_ =	shalt  }
.Lfunc_end0:
.L_simem_size_0:
called_computation.1_lowered:
.L_overlay_start_0:
0x88: {  	s2 =	sld [smem:$0x3FD9]  }
0x89: {  	s3 =	sld [smem:$0x3FFE];
	_ =	sdelay $0x1  }
0x8a: {  	s1 =	srdreg.scid  }
0x8b: {  	s0 =	sand.u32 $0x1, s1  }
0x8c: {  	s14 =	sshll.u32 s0, $0xA;
	s2 =	sadd.s32 s3, s2  }
0x8d: {  	s2 =	sadd.s32 s2, s14  }
0x8e: {  	[smem:$0x3FC1] =	sst s2  }
0x8f: {  	_ = 	snop  }
0x90: {  	s2 =	sld [smem:$0x3FD0];
	_ =	sdelay $0x2  }
0x91: {  	s15 =	simm.s32 $0xA;
	s4 =	simm.s32 $0x10  }
0x92: {  	[smem:s4], [sflag:s15] =	dma.local [hbm:s2], $0x1  }
0x93: {  	_ =	swait.eq [sflag:s15], $0x1  }
0x94: {  	[sflag:s15] =	ssyncset.done $0x0  }
0x95: {  	[sflag:s15] =	ssyncadd.s32 $0xFFFFFFFF  }
0x96: {  	s16 =	sld [smem:$0x10];
	(tm) =	ssettm $0x1  }
0x97: {  	s17 =	sld [smem:$0x3FFB];
	_ =	sdelay $0x3  }
0x98: {  	_ =	strace s17  }
0x99: {  	s3 =	sld [smem:$0x3FFC];
	_ =	sdelay $0x3  }
0x9a: {  	_ =	strace s3  }
0x9b: {  	s3 =	sld [smem:$0x3FFD];
	_ =	sdelay $0x3  }
0x9c: {  	_ =	strace s3  }
0x9d: {  	_ =	strace $0x8FFFFFFF  }
0x9e: {  	s18 =	sld [smem:$0x3FDB];
	_ =	sdelay $0x1  }
0x9f: {  	s19 =	simm.s32 $_scs_section_size  }
0xa0: {  	s5 =	simm.s32 $_size__tile_overlayer_lowered;
	s6 =	simm.s32 $_tile_overlayer_lowered  }
0xa1: {  	s22 =	simm.s32 $0x1BFF;
	s21 =	sshll.u32 s6, $0x1;
	s3 =	sadd.s32 s19, s18  }
0xa2: {  	s7 =	simm.s32 $0x0;
	s20 =	sshll.u32 s5, $0x1;
	s5 =	sadd.s32 s21, s3  }
0xa3: {  	[timem:s7], [sflag:s22] =	dma.local [hbm:s5], s20  }
0xa4: {  	_ =	swait.ge [sflag:s22], s20  }
0xa5: {  	s4 =	ssub.s32 $0x0, s20;
	[sflag:s22] =	ssyncset.done $0x0  }
0xa6: {  	[sflag:s22] =	ssyncadd.s32 s4;
	_ =	sdelay $0x1  }
0xa7: {  	s23 =	simm.s32 $0x1B8B  }
0xa8: {  	_ =	swait.ge [sflag:s23], $0x1  }
0xa9: {  	[sflag:s23] =	ssyncset.done $0x0  }
0xaa: {  	s25 =	simm.s32 $0x1B8E;
	s24 =	sld [smem:$0x3FFE];
	[sflag:s23] =	ssyncadd.s32 $0xFFFFFFFF  }
0xab: {  	s26 =	simm.s32 $execute0_lowered;
	[smem:$0x3FD2] =	sst s25  }
0xac: {  	s5 =	sshll.u32 s26, $0x1;
	_ =	strace $0x80000049;
	[dreg:$0x1] =	wrdreg $0xFFFFFFFF  }
0xad: {  	s28 =	simm.s32 $_size_execute0_lowered;
	s3 =	sadd.s32 s3, s5;
	[dreg:$0x0] =	wrdreg $0x0  }
0xae: {  	s5 =	sshll.u32 s28, $0x1;
	[dreg:$0x2] =	wrdreg s3  }
0xaf: {  	[dreg:$0x3] =	wrdreg s5  }
0xb0: {  	[dreg:$0x4] =	wrdreg $0xC0  }
0xb1: {  	_ =	task [dreg:s7], $0x5FFFF  }
0xb2: {  	[dreg:$0x1] =	wrdreg $0xFFFFFFFF  }
0xb3: {  	[dreg:$0x0] =	wrdreg $0x60  }
0xb4: {  	[dreg:$0x2] =	wrdreg s24  }
0xb5: {  	[dreg:$0x3] =	wrdreg s16  }
0xb6: {  	[dreg:$0x4] =	wrdreg $0x9  }
0xb7: {  	_ =	task.clear_ibuf [dreg:s7], $0x5FFFF;
	_ =	strace $0x90000049  }
0xb8: {  	s29 =	simm.s32 $0x9;
	_ =	strace $0x8000004B  }
0xb9: {  	_ =	swait.ge [sflag:s29], $0x1  }
0xba: {  	[sflag:s29] =	ssyncadd.s32 $0xFFFFFFFF  }
0xbb: {  	_ =	strace $0x9000004B  }
0xbc: {  	_ =	sfence  }
0xbd: {  	s30 =	sld [smem:$0x0];
	_ =	sdelay $0x2  }
0xbe: {  	s31 =	sshll.u32 s1, $0xD;
	s1 =	sshrl.u32 s1, $0x2  }
0xbf: {  	s3 =	sand.u32 $0x4000, s31;
	s1 =	sadd.s32 s1, s30  }
0xc0: {  	s0 =	sor.u32 s3, s0;
	s1 =	sshll.u32 s1, $0x11  }
0xc1: {  	s0 =	sor.u32 s1, s0  }
0xc2: {  	s0 =	sadd.s32 $0x8F2B, s0  }
0xc3: {  	[sflag:s0] =	ssyncadd.remote.s32 $0x1  }
0xc4: {  	_ =	sfence.sel $0xFFFF  }
0xc5: {  	[dreg:$0x0] =	wrdreg $0xFFFFFFFF;
	(pc) =	sbr.abs _section_cstart, $3  }
0xc6: {  	[dreg:$0x1] =	wrdreg $0xFFFFFFFF  }
0xc7: {  	_ =	task.clear_ibuf [dreg:s7], $0x2FFFF;
	_ =	strace $0x9FFFFFFF  }
0xc8: {  	(tm) =	ssettm $0x7FFFFFFF  }
0xc9: {  	_ =	shalt  }
tec
execute0_lowered:
.L_overlay_start_1:
0x0: {  	(tag) =	ssettag $0x1  }
0x1: {  	s0 =	rddreg [dreg:$0x0]  }
0x2: {  	s1 =	rddreg [dreg:$0x1]  }
0x3: {  	s2 =	simm.s32 $0x0;
	s3 =	srdreg.scid;
	s6 =	stileid.u32  }
0x4: {  	s11 =	simm.s32 $0x900;
	s12 =	simm.s32 $0x1100;
	[smem:$0x7FF] =	sst s2  }
0x5: {  	s13 =	simm.s32 $0x1900;
	_ =	strace $0x8000004A;
	[dreg:$0x4] =	wrdreg s11  }
0x6: {  	s14 =	simm.s32 $0x2100;
	s16 =	simm.s32 $0x2900;
	[dreg:$0x5] =	wrdreg s12  }
0x7: {  	s17 =	simm.s32 $0x3100;
	s19 =	simm.s32 $0x3900;
	[dreg:$0x6] =	wrdreg s13  }
0x8: {  	s20 =	simm.s32 $0x4100;
	s21 =	simm.s32 $0x4900;
	[dreg:$0x7] =	wrdreg s14  }
0x9: {  	s22 =	simm.s32 $0x5100;
	s24 =	simm.s32 $0x5900;
	[dreg:$0x8] =	wrdreg s16  }
0xa: {  	s25 =	simm.s32 $0x6100;
	s26 =	simm.s32 $0x6900;
	[dreg:$0x9] =	wrdreg s17  }
0xb: {  	s28 =	simm.s32 $0xF100;
	s29 =	simm.s32 $0xF900;
	[dreg:$0xa] =	wrdreg s19  }
0xc: {  	s30 =	simm.s32 $0x1;
	s31 =	simm.s32 $0x0;
	[dreg:$0xb] =	wrdreg s20  }
0xd: {  	s4 =	sand.u32 $0x1, s3;
	s5 =	sshll.u32 s6, $0x10;
	[dreg:$0xc] =	wrdreg s21  }
0xe: {  	s3 =	sadd.s32 $0x2800, s0;
	s6 =	sshll.u32 s6, $0x9;
	[dreg:$0xd] =	wrdreg s22  }
0xf: {  	s1 =	sadd.s32 s5, s1;
	s9 =	sshll.u32 s4, $0xF;
	[dreg:$0xe] =	wrdreg s24  }
0x10: {  	s7 =	sshll.u32 s4, $0x8;
	s4 =	ssub.s32 $0x2, s4;
	[dreg:$0xf] =	wrdreg s25  }
0x11: {  	[dreg:$0x10] =	wrdreg s26;
	s11 =	simm.s32 $0x7100;
	s12 =	simm.s32 $0x7900  }
0x12: {  	s13 =	simm.s32 $0x8100;
	s14 =	simm.s32 $0x8900;
	s16 =	simm.s32 $0x9900  }
0x13: {  	s17 =	simm.s32 $0xA100;
	s19 =	simm.s32 $0xB100;
	s20 =	simm.s32 $0xB900  }
0x14: {  	s21 =	simm.s32 $0xC100;
	s22 =	simm.s32 $0xC900;
	s24 =	simm.s32 $0xD900  }
0x15: {  	s25 =	simm.s32 $0xE100;
	s26 =	simm.s32 $0xE900;
	s1 =	sadd.s32 s9, s1  }
0x16: {  	s10 =	sor.u32 s7, s6;
	s15 =	sshrl.u32 s4, $0x1;
	s6 =	sadd.s32 $0x2A00, s0  }
0x17: {  	s7 =	sadd.s32 $0x2B00, s0;
	s9 =	simm.s32 $0x2;
	[dreg:$0x3] =	wrdreg s1  }
0x18: {  	s5 =	sshrl.u32 s10, $0x3;
	s8 =	ssub.s32 s4, s15;
	s10 =	simm.s32 $0x100  }
0x19: {  	v2 =	vlaneseq.u32;
	s15 =	simm.s32 $0x9100;
	s5 =	sadd.s32 s5, s0;
	s23 =	smax.u32 s8, $0x1  }
0x1a: {  	vm0 =	vmmov $0xffff;
	v1 =	vshrl.u32 v2, $0x3;
	s18 =	sadd.s32 $0x1000, s5;
	s5 =	sadd.s32 $0x2900, s0;
	[dreg:$0x12] =	wrdreg s23  }
0x1b: {  	v0 =	vand.u32 $0x7, v2;
	v2 =	vor.u32 $0x8, v2;
	v1 =	vmul.u32 $0x8, v1;
	s23 =	simm.s32 $0xD100;
	[dreg:$0x11] =	wrdreg s18;
	s18 =	simm.s32 $0xA900  }
.LBB2_1:
0x1c: {  	s0 =	rddreg [dreg:$0x11]  }
0x1d: {  	[tilespmem:s2], [sflag:$0x2] =	stream.linear.gather [hbm4b:s0+s2], $0x100, $0x38;
	[tilespmem:$0x10100] =	vst v63  }
0x1e: {  	_ =	swait.ge [sflag:s9], $0x100  }
0x1f: {  	[sflag:s9] =	ssyncset.done $0x0  }
0x20: {  	s1 =	simm.s32 $0x0;
	s0 =	simm.s32 $0x20;
	[sflag:s9] =	ssyncadd.s32 $0xFFFFFF00  }
.LBB2_2:
0x21: {  	v3 =	vld [tilespmem:s0+$0xFFFFFFE0];
	_ =	sdelay $0x4  }
0x22: {  	v4 =	vshll.u32 v3, $0x3  }
0x23: {  	v3 =	vand.u32 $0x7, v3;
	v4 =	vand.u32 $0xFFFFFFC0, v4  }
0x24: {  	v3 =	vor.u32 v3, v4  }
0x25: {  	v4 =	vperm.xlane v3, v0;
	_ =	sdelay $0x1  }
0x26: {  	v4 =	vadd.s32 v1, v4;
	_ =	sdelay $0x4  }
0x27: {  	[tilespmem:s10], [sflag:$0x1] =	stream.indirect_vreg.gather [hbm4b:s3+s2], $0x80, v4, vm0, $0xb8;
	[tilespmem:$0x10100] =	vst v63  }
0x28: {  	s4 =	rddreg [dreg:$0x4];
	v3 =	vperm.xlane v3, v2  }
0x29: {  	[tilespmem:s4], [sflag:$0x1] =	stream.indirect_vreg.gather [hbm4b:s5+s2], $0x80, v4, vm0, $0xb8;
	[tilespmem:$0x10100] =	vst v63  }
0x2a: {  	s8 =	rddreg [dreg:$0x5];
	v3 =	vadd.s32 v1, v3  }
0x2b: {  	[tilespmem:s8], [sflag:$0x1] =	stream.indirect_vreg.gather [hbm4b:s6+s2], $0x80, v4, vm0, $0xb8;
	[tilespmem:$0x10100] =	vst v63  }
0x2c: {  	s4 =	rddreg [dreg:$0x6]  }
0x2d: {  	[tilespmem:s4], [sflag:$0x1] =	stream.indirect_vreg.gather [hbm4b:s7+s2], $0x80, v4, vm0, $0xb8;
	[tilespmem:$0x10100] =	vst v63  }
0x2e: {  	s8 =	rddreg [dreg:$0x7]  }
0x2f: {  	[tilespmem:s8], [sflag:$0x1] =	stream.indirect_vreg.gather [hbm4b:s3+s2], $0x80, v3, vm0, $0xb8;
	[tilespmem:$0x10100] =	vst v63  }
0x30: {  	s4 =	rddreg [dreg:$0x8]  }
0x31: {  	[tilespmem:s4], [sflag:$0x1] =	stream.indirect_vreg.gather [hbm4b:s5+s2], $0x80, v3, vm0, $0xb8;
	[tilespmem:$0x10100] =	vst v63  }
0x32: {  	s8 =	rddreg [dreg:$0x9]  }
0x33: {  	[tilespmem:s8], [sflag:$0x1] =	stream.indirect_vreg.gather [hbm4b:s6+s2], $0x80, v3, vm0, $0xb8;
	[tilespmem:$0x10100] =	vst v63  }
0x34: {  	s4 =	rddreg [dreg:$0xa]  }
0x35: {  	[tilespmem:s4], [sflag:$0x1] =	stream.indirect_vreg.gather [hbm4b:s7+s2], $0x80, v3, vm0, $0xb8;
	[tilespmem:$0x10100] =	vst v63  }
0x36: {  	v3 =	vld [tilespmem:s0+$0xFFFFFFF0];
	_ =	sdelay $0x4  }
0x37: {  	v61 =	vshll.u32 v3, $0x3  }
0x38: {  	v3 =	vand.u32 $0x7, v3;
	v4 =	vand.u32 $0xFFFFFFC0, v61  }
0x39: {  	v3 =	vor.u32 v3, v4  }
0x3a: {  	v4 =	vperm.xlane v3, v0;
	_ =	sdelay $0x1  }
0x3b: {  	v4 =	vadd.s32 v1, v4;
	_ =	sdelay $0x3  }
0x3c: {  	s4 =	rddreg [dreg:$0xb]  }
0x3d: {  	[tilespmem:s4], [sflag:$0x1] =	stream.indirect_vreg.gather [hbm4b:s3+s2], $0x80, v4, vm0, $0xb8;
	[tilespmem:$0x10100] =	vst v63  }
0x3e: {  	s8 =	rddreg [dreg:$0xc];
	v3 =	vperm.xlane v3, v2  }
0x3f: {  	[tilespmem:s8], [sflag:$0x1] =	stream.indirect_vreg.gather [hbm4b:s5+s2], $0x80, v4, vm0, $0xb8;
	[tilespmem:$0x10100] =	vst v63  }
0x40: {  	v3 =	vadd.s32 v1, v3;
	s4 =	rddreg [dreg:$0xd]  }
0x41: {  	[tilespmem:s4], [sflag:$0x1] =	stream.indirect_vreg.gather [hbm4b:s6+s2], $0x80, v4, vm0, $0xb8;
	[tilespmem:$0x10100] =	vst v63  }
0x42: {  	s8 =	rddreg [dreg:$0xe]  }
0x43: {  	[tilespmem:s8], [sflag:$0x1] =	stream.indirect_vreg.gather [hbm4b:s7+s2], $0x80, v4, vm0, $0xb8;
	[tilespmem:$0x10100] =	vst v63  }
0x44: {  	s4 =	rddreg [dreg:$0xf]  }
0x45: {  	[tilespmem:s4], [sflag:$0x1] =	stream.indirect_vreg.gather [hbm4b:s3+s2], $0x80, v3, vm0, $0xb8;
	[tilespmem:$0x10100] =	vst v63  }
0x46: {  	s8 =	rddreg [dreg:$0x10]  }
0x47: {  	[tilespmem:s8], [sflag:$0x1] =	stream.indirect_vreg.gather [hbm4b:s5+s2], $0x80, v3, vm0, $0xb8;
	[tilespmem:$0x10100] =	vst v63  }
0x48: {  	_ = 	snop  }
0x49: {  	[tilespmem:s11], [sflag:$0x1] =	stream.indirect_vreg.gather [hbm4b:s6+s2], $0x80, v3, vm0, $0xb8;
	[tilespmem:$0x10100] =	vst v63  }
0x4a: {  	_ = 	snop  }
0x4b: {  	[tilespmem:s12], [sflag:$0x1] =	stream.indirect_vreg.gather [hbm4b:s7+s2], $0x80, v3, vm0, $0xb8;
	[tilespmem:$0x10100] =	vst v63  }
0x4c: {  	v3 =	vld [tilespmem:s0+$0x0];
	_ =	sdelay $0x4  }
0x4d: {  	v62 =	vshll.u32 v3, $0x3  }
0x4e: {  	v3 =	vand.u32 $0x7, v3;
	v4 =	vand.u32 $0xFFFFFFC0, v62  }
0x4f: {  	v3 =	vor.u32 v3, v4  }
0x50: {  	v4 =	vperm.xlane v3, v0;
	_ =	sdelay $0x1  }
0x51: {  	v4 =	vadd.s32 v1, v4;
	_ =	sdelay $0x4  }
0x52: {  	[tilespmem:s13], [sflag:$0x1] =	stream.indirect_vreg.gather [hbm4b:s3+s2], $0x80, v4, vm0, $0xb8;
	[tilespmem:$0x10100] =	vst v63  }
0x53: {  	v3 =	vperm.xlane v3, v2  }
0x54: {  	[tilespmem:s14], [sflag:$0x1] =	stream.indirect_vreg.gather [hbm4b:s5+s2], $0x80, v4, vm0, $0xb8;
	[tilespmem:$0x10100] =	vst v63  }
0x55: {  	v3 =	vadd.s32 v1, v3  }
0x56: {  	[tilespmem:s15], [sflag:$0x1] =	stream.indirect_vreg.gather [hbm4b:s6+s2], $0x80, v4, vm0, $0xb8;
	[tilespmem:$0x10100] =	vst v63  }
0x57: {  	_ = 	snop  }
0x58: {  	[tilespmem:s16], [sflag:$0x1] =	stream.indirect_vreg.gather [hbm4b:s7+s2], $0x80, v4, vm0, $0xb8;
	[tilespmem:$0x10100] =	vst v63  }
0x59: {  	_ = 	snop  }
0x5a: {  	[tilespmem:s17], [sflag:$0x1] =	stream.indirect_vreg.gather [hbm4b:s3+s2], $0x80, v3, vm0, $0xb8;
	[tilespmem:$0x10100] =	vst v63  }
0x5b: {  	_ = 	snop  }
0x5c: {  	[tilespmem:s18], [sflag:$0x1] =	stream.indirect_vreg.gather [hbm4b:s5+s2], $0x80, v3, vm0, $0xb8;
	[tilespmem:$0x10100] =	vst v63  }
0x5d: {  	_ = 	snop  }
0x5e: {  	[tilespmem:s19], [sflag:$0x1] =	stream.indirect_vreg.gather [hbm4b:s6+s2], $0x80, v3, vm0, $0xb8;
	[tilespmem:$0x10100] =	vst v63  }
0x5f: {  	_ = 	snop  }
0x60: {  	[tilespmem:s20], [sflag:$0x1] =	stream.indirect_vreg.gather [hbm4b:s7+s2], $0x80, v3, vm0, $0xb8;
	[tilespmem:$0x10100] =	vst v63  }
0x61: {  	v3 =	vld [tilespmem:s0+$0x10];
	_ =	sdelay $0x4  }
0x62: {  	v63 =	vshll.u32 v3, $0x3  }
0x63: {  	v3 =	vand.u32 $0x7, v3;
	v4 =	vand.u32 $0xFFFFFFC0, v63  }
0x64: {  	v3 =	vor.u32 v3, v4  }
0x65: {  	v4 =	vperm.xlane v3, v0;
	_ =	sdelay $0x1  }
0x66: {  	v4 =	vadd.s32 v1, v4;
	_ =	sdelay $0x4  }
0x67: {  	[tilespmem:s21], [sflag:$0x1] =	stream.indirect_vreg.gather [hbm4b:s3+s2], $0x80, v4, vm0, $0xb8;
	[tilespmem:$0x10100] =	vst v63  }
0x68: {  	v3 =	vperm.xlane v3, v2  }
0x69: {  	[tilespmem:s22], [sflag:$0x1] =	stream.indirect_vreg.gather [hbm4b:s5+s2], $0x80, v4, vm0, $0xb8;
	[tilespmem:$0x10100] =	vst v63  }
0x6a: {  	v3 =	vadd.s32 v1, v3  }
0x6b: {  	[tilespmem:s23], [sflag:$0x1] =	stream.indirect_vreg.gather [hbm4b:s6+s2], $0x80, v4, vm0, $0xb8;
	[tilespmem:$0x10100] =	vst v63  }
0x6c: {  	_ = 	snop  }
0x6d: {  	[tilespmem:s24], [sflag:$0x1] =	stream.indirect_vreg.gather [hbm4b:s7+s2], $0x80, v4, vm0, $0xb8;
	[tilespmem:$0x10100] =	vst v63  }
0x6e: {  	_ = 	snop  }
0x6f: {  	[tilespmem:s25], [sflag:$0x1] =	stream.indirect_vreg.gather [hbm4b:s3+s2], $0x80, v3, vm0, $0xb8;
	[tilespmem:$0x10100] =	vst v63  }
0x70: {  	_ = 	snop  }
0x71: {  	[tilespmem:s26], [sflag:$0x1] =	stream.indirect_vreg.gather [hbm4b:s5+s2], $0x80, v3, vm0, $0xb8;
	[tilespmem:$0x10100] =	vst v63  }
0x72: {  	_ = 	snop  }
0x73: {  	[tilespmem:s28], [sflag:$0x1] =	stream.indirect_vreg.gather [hbm4b:s6+s2], $0x80, v3, vm0, $0xb8;
	[tilespmem:$0x10100] =	vst v63  }
0x74: {  	_ = 	snop  }
0x75: {  	[tilespmem:s29], [sflag:$0x1] =	stream.indirect_vreg.gather [hbm4b:s7+s2], $0x80, v3, vm0, $0xb8;
	[tilespmem:$0x10100] =	vst v63  }
0x76: {  	_ =	swait.ge [sflag:s30], $0x10000  }
0x77: {  	p0 =	sne.s32 s1, $0x6000;
	s8 =	rddreg [dreg:$0x3];
	[sflag:s30] =	ssyncset.done $0x0  }
.Ltmp0:
0x78: {  	[sflag:s30] =	ssyncadd.s32 $0xFFFF0000;
	s4 =	sadd.s32 s1, s8;
	(pc) =	sbr.rel @p0 .LBB2_2-.Ltmp0, $4  }
0x79: {  	[hbm4b:s4+s2] =	stream.linear.scatter [tilespmem:s10], [sflag:$0x2], $0x10000, $0x38;
	[tilespmem:$0x10100] =	vst v63  }
0x7a: {  	_ =	swait.ge [sflag:s9], $0x10000  }
0x7b: {  	[sflag:s9] =	ssyncset.done $0x0  }
0x7c: {  	s0 =	sadd.s32 $0x40, s0;
	s1 =	sadd.s32 $0x2000, s1;
	[sflag:s9] =	ssyncadd.s32 $0xFFFF0000  }
0x7d: {  	s31 =	sadd.s32 $0x1, s31;
	s0 =	rddreg [dreg:$0x12]  }
0x7e: {  	p0 =	sne.s32 s31, s0  }
.Ltmp1:
0x7f: {  	_ = 	snop;
	(pc) =	sbr.rel @p0 .LBB2_1-.Ltmp1, $1  }
0x80: {  	_ =	sdelay $0x3  }
0x81: {  	_ =	sfence.sel $0x180000  }
0x82: {  	[bflag:$0x0] =	sbarrier.arrive $0xFFFF  }
0x83: {  	_ =	strace $0x9000004A  }
0x84: {  	s0 =	stileid.u32;
	[bflag:$0x2] =	sbarrier.arrive $0xFFFF  }
0x85: {  	p0 =	sne.s32 s0, $0x0;
	s0 =	rddreg [dreg:$0x2]  }
0x86: {  	s0 =	sadd.s32 @!p0 $0x100000, s0  }
0x87: {  	[sflag:s0] =	ssyncadd.tile.s32 @!p0 $0x1;
	_ =	shalt  }
.Lfunc_end2:
_tile_overlayer_lowered:
.L_overlay_start_2:
0x88: {  	(tag) =	ssettag $0x2  }
0x89: {  	s0 =	rddreg [dreg:$0x0];
	s2 =	stileid.u32  }
0x8a: {  	s1 =	rddreg [dreg:$0x1];
	p0 =	sne.s32 s2, $0x0  }
0x8b: {  	s3 =	rddreg [dreg:$0x2];
	[bflag:$0x3] =	sbarrier.arrive $0xFFFF;
	s2 =	simm.s32 @!p0 $0x1C02  }
0x8c: {  	[timem:s3], [sflag:s2] =	dma.local @!p0 [hbm:s0], s1  }
0x8d: {  	s0 =	simm.s32 @!p0 $0x2  }
0x8e: {  	_ =	swait.ge @!p0 [sflag:s0], s1  }
0x8f: {  	s1 =	ssub.s32 @!p0 $0x0, s1;
	[sflag:s0] =	ssyncset.done @!p0 $0x0  }
0x90: {  	[sflag:s0] =	ssyncadd.s32 @!p0 s1  }
0x91: {  	[bflag:$0x3] =	sbarrier.arrive $0xFFFF  }
0x92: {  	_ =	shalt  }

</sc_bundles>
